<compile_context>
chip_gen: v7x
topology: tpu7x:2x2x1
jax: 0.10.2.dev20260603
libtpu: 0.0.44.dev20260713+nightly
codegen_flags: <defaults>
</compile_context>

<pallas_src>
import functools

import jax
import jax.numpy as jnp
from jax import lax
from jax.experimental import pallas as pl
from jax.experimental.pallas import tpu as pltpu
from jax.experimental.pallas import tpu_sc as plsc

_NUM_CORES = 2
_NUM_SUBCORES = 16
_NUM_WORKERS = _NUM_CORES * _NUM_SUBCORES


def _make_gather(b: int, p: int, d: int, chunk: int, nbuf: int):
    num_rows = b * p
    assert num_rows % (_NUM_WORKERS * chunk) == 0
    rows_per_worker = num_rows // _NUM_WORKERS
    assert p % rows_per_worker == 0
    n_chunks = rows_per_worker // chunk
    assert nbuf <= n_chunks
    mesh = plsc.VectorSubcoreMesh(
        core_axis_name="c", subcore_axis_name="s", num_cores=_NUM_CORES
    )

    @functools.partial(
        pl.kernel,
        mesh=mesh,
        out_type=jax.ShapeDtypeStruct((num_rows, d), jnp.float32),
        scratch_types=[
            pltpu.VMEM((rows_per_worker,), jnp.int32),
            pltpu.VMEM((nbuf, chunk, d), jnp.float32),
            pltpu.SemaphoreType.DMA,
            pltpu.SemaphoreType.DMA,
        ],
    )
    def gather_kernel(table_hbm, x_hbm, out_hbm, idx_v, rows_v, gsem, wsem):
        wid = lax.axis_index("s") * _NUM_CORES + lax.axis_index("c")
        base = wid * rows_per_worker
        row = wid // (p // rows_per_worker)
        col = (wid % (p // rows_per_worker)) * rows_per_worker
        pltpu.sync_copy(x_hbm.at[row, pl.ds(col, rows_per_worker)], idx_v)

        def start_g(c):
            return pltpu.async_copy(
                table_hbm.at[idx_v.at[pl.ds(c * chunk, chunk)]],
                rows_v.at[c % nbuf],
                gsem,
            )

        def start_w(c):
            return pltpu.async_copy(
                rows_v.at[c % nbuf],
                out_hbm.at[pl.ds(base + c * chunk, chunk)],
                wsem,
            )

        g = [None] * n_chunks
        w = [None] * n_chunks
        for j in range(nbuf):
            g[j] = start_g(j)
        for c in range(n_chunks):
            g[c].wait()
            w[c] = start_w(c)
            j = c - 1 + nbuf
            if c >= 1 and j < n_chunks:
                w[c - 1].wait()
                g[j] = start_g(j)
        for c in range(n_chunks):
            if c + nbuf >= n_chunks:
                w[c].wait()

    return gather_kernel


@jax.jit
def kernel(x, W_E):
    d, v = W_E.shape
    b, p = x.shape
    W_T = W_E.T
    gather = _make_gather(b, p, d, chunk=32, nbuf=4)
    out = gather(W_T, x.astype(jnp.int32))
    return out.reshape(b, p, d)

# --- scband reference (transcript-rebuilt; emitter-appended) ---
"""Pipeline reference for scband-embed-61864708931830 (READ-ONLY COPY).

The authoritative reference and input builder live on the scoring server;
editing this copy changes nothing except your own understanding.
"""

import jax, jax.numpy as jnp
import numpy as np

D_VOCAB = 100000
D_MODEL = 768
BATCH = 4
SEQ = 2048


def setup_inputs(seed: int = 0) -> dict:
    key = jax.random.key(seed)
    k_w, k_x = jax.random.split(key)
    W_E = jax.random.normal(k_w, (D_MODEL, D_VOCAB), dtype=jnp.float32) / np.sqrt(D_MODEL)
    x = jax.random.randint(k_x, (BATCH, SEQ), 0, D_VOCAB, dtype=jnp.int64 if jax.config.read('jax_enable_x64') else jnp.int32)
    return {"x": x, "W_E": W_E}


def reference(x, W_E):
    # torch: t.einsum('dbp -> bpd', self.W_E[:, x])
    # W_E[:, x] -> [d_model, batch, pos]; permute -> [batch, pos, d_model]
    gathered = jnp.take(W_E, x, axis=1)  # [d, b, p]
    return jnp.transpose(gathered, (1, 2, 0))  # [b, p, d]

if __name__ == "__main__":
    import jax
    _d = setup_inputs()
    print(jax.jit(kernel)(*tuple(_d.values())))

</pallas_src>

<mosaic_0001>
#map = affine_map<(d0, d1) -> (0, 0)>
module attributes {stable_mosaic.version = 14 : i64} {
  func.func @gather_kernel(%arg0: i32, %arg1: i32, %arg2: memref<100000x768xf32, #tpu.memory_space<hbm>>, %arg3: memref<4x2048xi32, #tpu.memory_space<hbm>>, %arg4: memref<8192x768xf32, #tpu.memory_space<hbm>>, %arg5: memref<256xi32, #tpu.memory_space<vmem>>, %arg6: memref<4x32x768xf32, #tpu.memory_space<vmem>>, %arg7: memref<!tpu.dma_semaphore, #tpu.memory_space<semaphore_mem>>, %arg8: memref<!tpu.dma_semaphore, #tpu.memory_space<semaphore_mem>>) attributes {dimension_semantics = [#tpu.dimension_semantics<core_parallel>, #tpu.dimension_semantics<subcore_parallel>], iteration_bounds = array<i64: 2, 16>, scalar_prefetch = 0 : i64, scratch_operands = 4 : i64, tpu.core_type = #tpu.core_type<sc_vector_subcore>, window_params = [{transform_indices = #map}, {transform_indices = #map}, {transform_indices = #map}]} {
    %mul3A = arith.constant 2 : i32
    %mul3A_0 = arith.muli %arg1, %mul3A : i32
    %add3A = arith.addi %mul3A_0, %arg0 : i32
    %mul3A_1 = arith.constant 256 : i32
    %mul3A_2 = arith.muli %add3A, %mul3A_1 : i32
    %jit3A = arith.constant 8 : i32
    %div3A = arith.divsi %add3A, %jit3A : i32
    %sign3A = arith.constant 0 : i32
    %sign3A_3 = arith.cmpi sgt, %add3A, %sign3A : i32
    %sign3A_4 = arith.extui %sign3A_3 : i1 to i32
    %sign3A_5 = arith.constant 0 : i32
    %sign3A_6 = arith.cmpi slt, %add3A, %sign3A_5 : i32
    %sign3A_7 = arith.extui %sign3A_6 : i1 to i32
    %sign3A_8 = arith.subi %sign3A_4, %sign3A_7 : i32
    %sign3A_9 = arith.constant 0 : i32
    %sign3A_10 = arith.cmpi sgt, %jit3A, %sign3A_9 : i32
    %sign3A_11 = arith.extui %sign3A_10 : i1 to i32
    %sign3A_12 = arith.constant 0 : i32
    %sign3A_13 = arith.cmpi slt, %jit3A, %sign3A_12 : i32
    %sign3A_14 = arith.extui %sign3A_13 : i1 to i32
    %sign3A_15 = arith.subi %sign3A_11, %sign3A_14 : i32
    %ne3A = arith.cmpi ne, %sign3A_8, %sign3A_15 : i32
    %rem3A = arith.remsi %add3A, %jit3A : i32
    %ne3A_16 = arith.constant 0 : i32
    %ne3A_17 = arith.cmpi ne, %rem3A, %ne3A_16 : i32
    %and3A = arith.andi %ne3A, %ne3A_17 : i1
    %sub3A = arith.constant 1 : i32
    %sub3A_18 = arith.subi %div3A, %sub3A : i32
    %select_n3A = arith.select %and3A, %sub3A_18, %div3A : i32
    %jit3A_19 = arith.constant 8 : i32
    %eq3A = arith.constant 0 : i32
    %eq3A_20 = arith.cmpi eq, %jit3A_19, %eq3A : i32
    %jit3A_21 = arith.constant 1 : i32
    %select_n3A_22 = arith.select %eq3A_20, %jit3A_21, %jit3A_19 : i32
    %rem3A_23 = arith.remsi %add3A, %select_n3A_22 : i32
    %ne3A_24 = arith.constant 0 : i32
    %ne3A_25 = arith.cmpi ne, %rem3A_23, %ne3A_24 : i32
    %lt3A = arith.constant 0 : i32
    %lt3A_26 = arith.cmpi slt, %rem3A_23, %lt3A : i32
    %lt3A_27 = arith.constant 0 : i32
    %lt3A_28 = arith.cmpi slt, %select_n3A_22, %lt3A_27 : i32
    %ne3A_29 = arith.xori %lt3A_26, %lt3A_28 : i1
    %and3A_30 = arith.andi %ne3A_29, %ne3A_25 : i1
    %add3A_31 = arith.addi %rem3A_23, %select_n3A_22 : i32
    %select_n3A_32 = arith.select %and3A_30, %add3A_31, %rem3A_23 : i32
    %mul3A_33 = arith.constant 256 : i32
    %mul3A_34 = arith.muli %select_n3A_32, %mul3A_33 : i32
    "tpu.region"() ({
      %run_scoped3A = tpu.sem_alloc : memref<!tpu.dma_semaphore, #tpu.memory_space<semaphore_mem>>
      %dma_start3A_417 = tpu.memref_slice %arg3[%select_n3A, %mul3A_34] : memref<4x2048xi32, #tpu.memory_space<hbm>> -> memref<1x256xi32, #tpu.memory_space<hbm>>
      %dma_start3A_418 = tpu.memref_squeeze %dma_start3A_417 : memref<1x256xi32, #tpu.memory_space<hbm>> -> memref<256xi32, #tpu.memory_space<hbm>>
      %dma_start3A_419 = tpu.memref_slice %arg3[%select_n3A, %mul3A_34] : memref<4x2048xi32, #tpu.memory_space<hbm>> -> memref<1x256xi32, #tpu.memory_space<hbm>>
      %dma_start3A_420 = tpu.memref_squeeze %dma_start3A_419 : memref<1x256xi32, #tpu.memory_space<hbm>> -> memref<256xi32, #tpu.memory_space<hbm>>
      tpu.enqueue_dma source(%dma_start3A_420 : memref<256xi32, #tpu.memory_space<hbm>>) target(%arg5 : memref<256xi32, #tpu.memory_space<vmem>>) target_semaphore(%run_scoped3A : memref<!tpu.dma_semaphore, #tpu.memory_space<semaphore_mem>>)
      %dma_wait3A_421 = tpu.memref_slice %arg3[%select_n3A, %mul3A_34] : memref<4x2048xi32, #tpu.memory_space<hbm>> -> memref<1x256xi32, #tpu.memory_space<hbm>>
      %dma_wait3A_422 = tpu.memref_squeeze %dma_wait3A_421 : memref<1x256xi32, #tpu.memory_space<hbm>> -> memref<256xi32, #tpu.memory_space<hbm>>
      %dma_wait3A_423 = tpu.memref_slice %arg3[%select_n3A, %mul3A_34] : memref<4x2048xi32, #tpu.memory_space<hbm>> -> memref<1x256xi32, #tpu.memory_space<hbm>>
      %dma_wait3A_424 = tpu.memref_squeeze %dma_wait3A_423 : memref<1x256xi32, #tpu.memory_space<hbm>> -> memref<256xi32, #tpu.memory_space<hbm>>
      tpu.wait_dma2 semaphore(%run_scoped3A : memref<!tpu.dma_semaphore, #tpu.memory_space<semaphore_mem>>) src(%dma_wait3A_424 : memref<256xi32, #tpu.memory_space<hbm>>) dst(%arg5 : memref<256xi32, #tpu.memory_space<vmem>>)
      tpu.yield
    }) : () -> ()
    %dma_start3A = arith.constant 0 : i32
    %dma_start3A_35 = arith.constant 0 : i32
    %dma_start3A_36 = arith.constant 0 : i32
    %dma_start3A_37 = tpu.memref_slice %arg6[%dma_start3A, %dma_start3A_35, %dma_start3A_36] : memref<4x32x768xf32, #tpu.memory_space<vmem>> -> memref<1x32x768xf32, #tpu.memory_space<vmem>>
    %dma_start3A_38 = tpu.memref_squeeze %dma_start3A_37 : memref<1x32x768xf32, #tpu.memory_space<vmem>> -> memref<32x768xf32, #tpu.memory_space<vmem>>
    %dma_start3A_39 = arith.constant 0 : i32
    %dma_start3A_40 = tpu.memref_slice %arg5[%dma_start3A_39] : memref<256xi32, #tpu.memory_space<vmem>> -> memref<32xi32, #tpu.memory_space<vmem>>
    %dma_start3A_41 = arith.constant 0 : i32
    %dma_start3A_42 = arith.constant 0 : i32
    %dma_start3A_43 = tpu.memref_slice %arg2[%dma_start3A_41, %dma_start3A_42] : memref<100000x768xf32, #tpu.memory_space<hbm>> -> memref<100000x768xf32, #tpu.memory_space<hbm>>
    tpu.enqueue_indirect_dma source(%dma_start3A_43 : memref<100000x768xf32, #tpu.memory_space<hbm>>) target(%dma_start3A_38 : memref<32x768xf32, #tpu.memory_space<vmem>>) offsets(%dma_start3A_40 : memref<32xi32, #tpu.memory_space<vmem>>) semaphore(%arg7 : memref<!tpu.dma_semaphore, #tpu.memory_space<semaphore_mem>>)
    %dma_start3A_44 = arith.constant 1 : i32
    %dma_start3A_45 = arith.constant 0 : i32
    %dma_start3A_46 = arith.constant 0 : i32
    %dma_start3A_47 = tpu.memref_slice %arg6[%dma_start3A_44, %dma_start3A_45, %dma_start3A_46] : memref<4x32x768xf32, #tpu.memory_space<vmem>> -> memref<1x32x768xf32, #tpu.memory_space<vmem>>
    %dma_start3A_48 = tpu.memref_squeeze %dma_start3A_47 : memref<1x32x768xf32, #tpu.memory_space<vmem>> -> memref<32x768xf32, #tpu.memory_space<vmem>>
    %dma_start3A_49 = arith.constant 32 : i32
    %dma_start3A_50 = tpu.memref_slice %arg5[%dma_start3A_49] : memref<256xi32, #tpu.memory_space<vmem>> -> memref<32xi32, #tpu.memory_space<vmem>>
    %dma_start3A_51 = arith.constant 0 : i32
    %dma_start3A_52 = arith.constant 0 : i32
    %dma_start3A_53 = tpu.memref_slice %arg2[%dma_start3A_51, %dma_start3A_52] : memref<100000x768xf32, #tpu.memory_space<hbm>> -> memref<100000x768xf32, #tpu.memory_space<hbm>>
    tpu.enqueue_indirect_dma source(%dma_start3A_53 : memref<100000x768xf32, #tpu.memory_space<hbm>>) target(%dma_start3A_48 : memref<32x768xf32, #tpu.memory_space<vmem>>) offsets(%dma_start3A_50 : memref<32xi32, #tpu.memory_space<vmem>>) semaphore(%arg7 : memref<!tpu.dma_semaphore, #tpu.memory_space<semaphore_mem>>)
    %dma_start3A_54 = arith.constant 2 : i32
    %dma_start3A_55 = arith.constant 0 : i32
    %dma_start3A_56 = arith.constant 0 : i32
    %dma_start3A_57 = tpu.memref_slice %arg6[%dma_start3A_54, %dma_start3A_55, %dma_start3A_56] : memref<4x32x768xf32, #tpu.memory_space<vmem>> -> memref<1x32x768xf32, #tpu.memory_space<vmem>>
    %dma_start3A_58 = tpu.memref_squeeze %dma_start3A_57 : memref<1x32x768xf32, #tpu.memory_space<vmem>> -> memref<32x768xf32, #tpu.memory_space<vmem>>
    %dma_start3A_59 = arith.constant 64 : i32
    %dma_start3A_60 = tpu.memref_slice %arg5[%dma_start3A_59] : memref<256xi32, #tpu.memory_space<vmem>> -> memref<32xi32, #tpu.memory_space<vmem>>
    %dma_start3A_61 = arith.constant 0 : i32
    %dma_start3A_62 = arith.constant 0 : i32
    %dma_start3A_63 = tpu.memref_slice %arg2[%dma_start3A_61, %dma_start3A_62] : memref<100000x768xf32, #tpu.memory_space<hbm>> -> memref<100000x768xf32, #tpu.memory_space<hbm>>
    tpu.enqueue_indirect_dma source(%dma_start3A_63 : memref<100000x768xf32, #tpu.memory_space<hbm>>) target(%dma_start3A_58 : memref<32x768xf32, #tpu.memory_space<vmem>>) offsets(%dma_start3A_60 : memref<32xi32, #tpu.memory_space<vmem>>) semaphore(%arg7 : memref<!tpu.dma_semaphore, #tpu.memory_space<semaphore_mem>>)
    %dma_start3A_64 = arith.constant 3 : i32
    %dma_start3A_65 = arith.constant 0 : i32
    %dma_start3A_66 = arith.constant 0 : i32
    %dma_start3A_67 = tpu.memref_slice %arg6[%dma_start3A_64, %dma_start3A_65, %dma_start3A_66] : memref<4x32x768xf32, #tpu.memory_space<vmem>> -> memref<1x32x768xf32, #tpu.memory_space<vmem>>
    %dma_start3A_68 = tpu.memref_squeeze %dma_start3A_67 : memref<1x32x768xf32, #tpu.memory_space<vmem>> -> memref<32x768xf32, #tpu.memory_space<vmem>>
    %dma_start3A_69 = arith.constant 96 : i32
    %dma_start3A_70 = tpu.memref_slice %arg5[%dma_start3A_69] : memref<256xi32, #tpu.memory_space<vmem>> -> memref<32xi32, #tpu.memory_space<vmem>>
    %dma_start3A_71 = arith.constant 0 : i32
    %dma_start3A_72 = arith.constant 0 : i32
    %dma_start3A_73 = tpu.memref_slice %arg2[%dma_start3A_71, %dma_start3A_72] : memref<100000x768xf32, #tpu.memory_space<hbm>> -> memref<100000x768xf32, #tpu.memory_space<hbm>>
    tpu.enqueue_indirect_dma source(%dma_start3A_73 : memref<100000x768xf32, #tpu.memory_space<hbm>>) target(%dma_start3A_68 : memref<32x768xf32, #tpu.memory_space<vmem>>) offsets(%dma_start3A_70 : memref<32xi32, #tpu.memory_space<vmem>>) semaphore(%arg7 : memref<!tpu.dma_semaphore, #tpu.memory_space<semaphore_mem>>)
    %dma_wait3A = arith.constant 0 : i32
    %dma_wait3A_74 = arith.constant 0 : i32
    %dma_wait3A_75 = arith.constant 0 : i32
    %dma_wait3A_76 = tpu.memref_slice %arg6[%dma_wait3A, %dma_wait3A_74, %dma_wait3A_75] : memref<4x32x768xf32, #tpu.memory_space<vmem>> -> memref<1x32x768xf32, #tpu.memory_space<vmem>>
    %dma_wait3A_77 = tpu.memref_squeeze %dma_wait3A_76 : memref<1x32x768xf32, #tpu.memory_space<vmem>> -> memref<32x768xf32, #tpu.memory_space<vmem>>
    %dma_wait3A_78 = arith.constant 0 : i32
    %dma_wait3A_79 = tpu.memref_slice %arg5[%dma_wait3A_78] : memref<256xi32, #tpu.memory_space<vmem>> -> memref<32xi32, #tpu.memory_space<vmem>>
    %dma_wait3A_80 = arith.constant 0 : i32
    %dma_wait3A_81 = arith.constant 0 : i32
    %dma_wait3A_82 = tpu.memref_slice %arg2[%dma_wait3A_80, %dma_wait3A_81] : memref<100000x768xf32, #tpu.memory_space<hbm>> -> memref<100000x768xf32, #tpu.memory_space<hbm>>
    tpu.wait_indirect_dma semaphore(%arg7 : memref<!tpu.dma_semaphore, #tpu.memory_space<semaphore_mem>>) src(%dma_wait3A_82 : memref<100000x768xf32, #tpu.memory_space<hbm>>) dst(%dma_wait3A_77 : memref<32x768xf32, #tpu.memory_space<vmem>>)
    %add3A_83 = arith.constant 0 : i32
    %add3A_84 = arith.addi %mul3A_2, %add3A_83 : i32
    %dma_start3A_85 = arith.constant 0 : i32
    %dma_start3A_86 = arith.constant 0 : i32
    %dma_start3A_87 = arith.constant 0 : i32
    %dma_start3A_88 = tpu.memref_slice %arg6[%dma_start3A_85, %dma_start3A_86, %dma_start3A_87] : memref<4x32x768xf32, #tpu.memory_space<vmem>> -> memref<1x32x768xf32, #tpu.memory_space<vmem>>
    %dma_start3A_89 = tpu.memref_squeeze %dma_start3A_88 : memref<1x32x768xf32, #tpu.memory_space<vmem>> -> memref<32x768xf32, #tpu.memory_space<vmem>>
    %dma_start3A_90 = arith.constant 0 : i32
    %dma_start3A_91 = tpu.memref_slice %arg4[%add3A_84, %dma_start3A_90] : memref<8192x768xf32, #tpu.memory_space<hbm>> -> memref<32x768xf32, #tpu.memory_space<hbm>>
    %dma_start3A_92 = arith.constant 0 : i32
    %dma_start3A_93 = tpu.memref_slice %arg4[%add3A_84, %dma_start3A_92] : memref<8192x768xf32, #tpu.memory_space<hbm>> -> memref<32x768xf32, #tpu.memory_space<hbm>>
    %dma_start3A_94 = arith.constant 0 : i32
    %dma_start3A_95 = arith.constant 0 : i32
    %dma_start3A_96 = tpu.memref_slice %arg6[%dma_start3A_85, %dma_start3A_94, %dma_start3A_95] : memref<4x32x768xf32, #tpu.memory_space<vmem>> -> memref<1x32x768xf32, #tpu.memory_space<vmem>>
    %dma_start3A_97 = tpu.memref_squeeze %dma_start3A_96 : memref<1x32x768xf32, #tpu.memory_space<vmem>> -> memref<32x768xf32, #tpu.memory_space<vmem>>
    tpu.enqueue_dma source(%dma_start3A_97 : memref<32x768xf32, #tpu.memory_space<vmem>>) target(%dma_start3A_93 : memref<32x768xf32, #tpu.memory_space<hbm>>) target_semaphore(%arg8 : memref<!tpu.dma_semaphore, #tpu.memory_space<semaphore_mem>>)
    %dma_wait3A_98 = arith.constant 1 : i32
    %dma_wait3A_99 = arith.constant 0 : i32
    %dma_wait3A_100 = arith.constant 0 : i32
    %dma_wait3A_101 = tpu.memref_slice %arg6[%dma_wait3A_98, %dma_wait3A_99, %dma_wait3A_100] : memref<4x32x768xf32, #tpu.memory_space<vmem>> -> memref<1x32x768xf32, #tpu.memory_space<vmem>>
    %dma_wait3A_102 = tpu.memref_squeeze %dma_wait3A_101 : memref<1x32x768xf32, #tpu.memory_space<vmem>> -> memref<32x768xf32, #tpu.memory_space<vmem>>
    %dma_wait3A_103 = arith.constant 32 : i32
    %dma_wait3A_104 = tpu.memref_slice %arg5[%dma_wait3A_103] : memref<256xi32, #tpu.memory_space<vmem>> -> memref<32xi32, #tpu.memory_space<vmem>>
    %dma_wait3A_105 = arith.constant 0 : i32
    %dma_wait3A_106 = arith.constant 0 : i32
    %dma_wait3A_107 = tpu.memref_slice %arg2[%dma_wait3A_105, %dma_wait3A_106] : memref<100000x768xf32, #tpu.memory_space<hbm>> -> memref<100000x768xf32, #tpu.memory_space<hbm>>
    tpu.wait_indirect_dma semaphore(%arg7 : memref<!tpu.dma_semaphore, #tpu.memory_space<semaphore_mem>>) src(%dma_wait3A_107 : memref<100000x768xf32, #tpu.memory_space<hbm>>) dst(%dma_wait3A_102 : memref<32x768xf32, #tpu.memory_space<vmem>>)
    %add3A_108 = arith.constant 32 : i32
    %add3A_109 = arith.addi %mul3A_2, %add3A_108 : i32
    %dma_start3A_110 = arith.constant 1 : i32
    %dma_start3A_111 = arith.constant 0 : i32
    %dma_start3A_112 = arith.constant 0 : i32
    %dma_start3A_113 = tpu.memref_slice %arg6[%dma_start3A_110, %dma_start3A_111, %dma_start3A_112] : memref<4x32x768xf32, #tpu.memory_space<vmem>> -> memref<1x32x768xf32, #tpu.memory_space<vmem>>
    %dma_start3A_114 = tpu.memref_squeeze %dma_start3A_113 : memref<1x32x768xf32, #tpu.memory_space<vmem>> -> memref<32x768xf32, #tpu.memory_space<vmem>>
    %dma_start3A_115 = arith.constant 0 : i32
    %dma_start3A_116 = tpu.memref_slice %arg4[%add3A_109, %dma_start3A_115] : memref<8192x768xf32, #tpu.memory_space<hbm>> -> memref<32x768xf32, #tpu.memory_space<hbm>>
    %dma_start3A_117 = arith.constant 0 : i32
    %dma_start3A_118 = tpu.memref_slice %arg4[%add3A_109, %dma_start3A_117] : memref<8192x768xf32, #tpu.memory_space<hbm>> -> memref<32x768xf32, #tpu.memory_space<hbm>>
    %dma_start3A_119 = arith.constant 0 : i32
    %dma_start3A_120 = arith.constant 0 : i32
    %dma_start3A_121 = tpu.memref_slice %arg6[%dma_start3A_110, %dma_start3A_119, %dma_start3A_120] : memref<4x32x768xf32, #tpu.memory_space<vmem>> -> memref<1x32x768xf32, #tpu.memory_space<vmem>>
    %dma_start3A_122 = tpu.memref_squeeze %dma_start3A_121 : memref<1x32x768xf32, #tpu.memory_space<vmem>> -> memref<32x768xf32, #tpu.memory_space<vmem>>
    tpu.enqueue_dma source(%dma_start3A_122 : memref<32x768xf32, #tpu.memory_space<vmem>>) target(%dma_start3A_118 : memref<32x768xf32, #tpu.memory_space<hbm>>) target_semaphore(%arg8 : memref<!tpu.dma_semaphore, #tpu.memory_space<semaphore_mem>>)
    %dma_wait3A_123 = arith.constant 0 : i32
    %dma_wait3A_124 = arith.constant 0 : i32
    %dma_wait3A_125 = arith.constant 0 : i32
    %dma_wait3A_126 = tpu.memref_slice %arg6[%dma_wait3A_123, %dma_wait3A_124, %dma_wait3A_125] : memref<4x32x768xf32, #tpu.memory_space<vmem>> -> memref<1x32x768xf32, #tpu.memory_space<vmem>>
    %dma_wait3A_127 = tpu.memref_squeeze %dma_wait3A_126 : memref<1x32x768xf32, #tpu.memory_space<vmem>> -> memref<32x768xf32, #tpu.memory_space<vmem>>
    %dma_wait3A_128 = arith.constant 0 : i32
    %dma_wait3A_129 = tpu.memref_slice %arg4[%add3A_84, %dma_wait3A_128] : memref<8192x768xf32, #tpu.memory_space<hbm>> -> memref<32x768xf32, #tpu.memory_space<hbm>>
    %dma_wait3A_130 = arith.constant 0 : i32
    %dma_wait3A_131 = tpu.memref_slice %arg4[%add3A_84, %dma_wait3A_130] : memref<8192x768xf32, #tpu.memory_space<hbm>> -> memref<32x768xf32, #tpu.memory_space<hbm>>
    %dma_wait3A_132 = arith.constant 0 : i32
    %dma_wait3A_133 = arith.constant 0 : i32
    %dma_wait3A_134 = tpu.memref_slice %arg6[%dma_wait3A_123, %dma_wait3A_132, %dma_wait3A_133] : memref<4x32x768xf32, #tpu.memory_space<vmem>> -> memref<1x32x768xf32, #tpu.memory_space<vmem>>
    %dma_wait3A_135 = tpu.memref_squeeze %dma_wait3A_134 : memref<1x32x768xf32, #tpu.memory_space<vmem>> -> memref<32x768xf32, #tpu.memory_space<vmem>>
    tpu.wait_dma2 semaphore(%arg8 : memref<!tpu.dma_semaphore, #tpu.memory_space<semaphore_mem>>) src(%dma_wait3A_135 : memref<32x768xf32, #tpu.memory_space<vmem>>) dst(%dma_wait3A_131 : memref<32x768xf32, #tpu.memory_space<hbm>>)
    %dma_start3A_136 = arith.constant 0 : i32
    %dma_start3A_137 = arith.constant 0 : i32
    %dma_start3A_138 = arith.constant 0 : i32
    %dma_start3A_139 = tpu.memref_slice %arg6[%dma_start3A_136, %dma_start3A_137, %dma_start3A_138] : memref<4x32x768xf32, #tpu.memory_space<vmem>> -> memref<1x32x768xf32, #tpu.memory_space<vmem>>
    %dma_start3A_140 = tpu.memref_squeeze %dma_start3A_139 : memref<1x32x768xf32, #tpu.memory_space<vmem>> -> memref<32x768xf32, #tpu.memory_space<vmem>>
    %dma_start3A_141 = arith.constant 128 : i32
    %dma_start3A_142 = tpu.memref_slice %arg5[%dma_start3A_141] : memref<256xi32, #tpu.memory_space<vmem>> -> memref<32xi32, #tpu.memory_space<vmem>>
    %dma_start3A_143 = arith.constant 0 : i32
    %dma_start3A_144 = arith.constant 0 : i32
    %dma_start3A_145 = tpu.memref_slice %arg2[%dma_start3A_143, %dma_start3A_144] : memref<100000x768xf32, #tpu.memory_space<hbm>> -> memref<100000x768xf32, #tpu.memory_space<hbm>>
    tpu.enqueue_indirect_dma source(%dma_start3A_145 : memref<100000x768xf32, #tpu.memory_space<hbm>>) target(%dma_start3A_140 : memref<32x768xf32, #tpu.memory_space<vmem>>) offsets(%dma_start3A_142 : memref<32xi32, #tpu.memory_space<vmem>>) semaphore(%arg7 : memref<!tpu.dma_semaphore, #tpu.memory_space<semaphore_mem>>)
    %dma_wait3A_146 = arith.constant 2 : i32
    %dma_wait3A_147 = arith.constant 0 : i32
    %dma_wait3A_148 = arith.constant 0 : i32
    %dma_wait3A_149 = tpu.memref_slice %arg6[%dma_wait3A_146, %dma_wait3A_147, %dma_wait3A_148] : memref<4x32x768xf32, #tpu.memory_space<vmem>> -> memref<1x32x768xf32, #tpu.memory_space<vmem>>
    %dma_wait3A_150 = tpu.memref_squeeze %dma_wait3A_149 : memref<1x32x768xf32, #tpu.memory_space<vmem>> -> memref<32x768xf32, #tpu.memory_space<vmem>>
    %dma_wait3A_151 = arith.constant 64 : i32
    %dma_wait3A_152 = tpu.memref_slice %arg5[%dma_wait3A_151] : memref<256xi32, #tpu.memory_space<vmem>> -> memref<32xi32, #tpu.memory_space<vmem>>
    %dma_wait3A_153 = arith.constant 0 : i32
    %dma_wait3A_154 = arith.constant 0 : i32
    %dma_wait3A_155 = tpu.memref_slice %arg2[%dma_wait3A_153, %dma_wait3A_154] : memref<100000x768xf32, #tpu.memory_space<hbm>> -> memref<100000x768xf32, #tpu.memory_space<hbm>>
    tpu.wait_indirect_dma semaphore(%arg7 : memref<!tpu.dma_semaphore, #tpu.memory_space<semaphore_mem>>) src(%dma_wait3A_155 : memref<100000x768xf32, #tpu.memory_space<hbm>>) dst(%dma_wait3A_150 : memref<32x768xf32, #tpu.memory_space<vmem>>)
    %add3A_156 = arith.constant 64 : i32
    %add3A_157 = arith.addi %mul3A_2, %add3A_156 : i32
    %dma_start3A_158 = arith.constant 2 : i32
    %dma_start3A_159 = arith.constant 0 : i32
    %dma_start3A_160 = arith.constant 0 : i32
    %dma_start3A_161 = tpu.memref_slice %arg6[%dma_start3A_158, %dma_start3A_159, %dma_start3A_160] : memref<4x32x768xf32, #tpu.memory_space<vmem>> -> memref<1x32x768xf32, #tpu.memory_space<vmem>>
    %dma_start3A_162 = tpu.memref_squeeze %dma_start3A_161 : memref<1x32x768xf32, #tpu.memory_space<vmem>> -> memref<32x768xf32, #tpu.memory_space<vmem>>
    %dma_start3A_163 = arith.constant 0 : i32
    %dma_start3A_164 = tpu.memref_slice %arg4[%add3A_157, %dma_start3A_163] : memref<8192x768xf32, #tpu.memory_space<hbm>> -> memref<32x768xf32, #tpu.memory_space<hbm>>
    %dma_start3A_165 = arith.constant 0 : i32
    %dma_start3A_166 = tpu.memref_slice %arg4[%add3A_157, %dma_start3A_165] : memref<8192x768xf32, #tpu.memory_space<hbm>> -> memref<32x768xf32, #tpu.memory_space<hbm>>
    %dma_start3A_167 = arith.constant 0 : i32
    %dma_start3A_168 = arith.constant 0 : i32
    %dma_start3A_169 = tpu.memref_slice %arg6[%dma_start3A_158, %dma_start3A_167, %dma_start3A_168] : memref<4x32x768xf32, #tpu.memory_space<vmem>> -> memref<1x32x768xf32, #tpu.memory_space<vmem>>
    %dma_start3A_170 = tpu.memref_squeeze %dma_start3A_169 : memref<1x32x768xf32, #tpu.memory_space<vmem>> -> memref<32x768xf32, #tpu.memory_space<vmem>>
    tpu.enqueue_dma source(%dma_start3A_170 : memref<32x768xf32, #tpu.memory_space<vmem>>) target(%dma_start3A_166 : memref<32x768xf32, #tpu.memory_space<hbm>>) target_semaphore(%arg8 : memref<!tpu.dma_semaphore, #tpu.memory_space<semaphore_mem>>)
    %dma_wait3A_171 = arith.constant 1 : i32
    %dma_wait3A_172 = arith.constant 0 : i32
    %dma_wait3A_173 = arith.constant 0 : i32
    %dma_wait3A_174 = tpu.memref_slice %arg6[%dma_wait3A_171, %dma_wait3A_172, %dma_wait3A_173] : memref<4x32x768xf32, #tpu.memory_space<vmem>> -> memref<1x32x768xf32, #tpu.memory_space<vmem>>
    %dma_wait3A_175 = tpu.memref_squeeze %dma_wait3A_174 : memref<1x32x768xf32, #tpu.memory_space<vmem>> -> memref<32x768xf32, #tpu.memory_space<vmem>>
    %dma_wait3A_176 = arith.constant 0 : i32
    %dma_wait3A_177 = tpu.memref_slice %arg4[%add3A_109, %dma_wait3A_176] : memref<8192x768xf32, #tpu.memory_space<hbm>> -> memref<32x768xf32, #tpu.memory_space<hbm>>
    %dma_wait3A_178 = arith.constant 0 : i32
    %dma_wait3A_179 = tpu.memref_slice %arg4[%add3A_109, %dma_wait3A_178] : memref<8192x768xf32, #tpu.memory_space<hbm>> -> memref<32x768xf32, #tpu.memory_space<hbm>>
    %dma_wait3A_180 = arith.constant 0 : i32
    %dma_wait3A_181 = arith.constant 0 : i32
    %dma_wait3A_182 = tpu.memref_slice %arg6[%dma_wait3A_171, %dma_wait3A_180, %dma_wait3A_181] : memref<4x32x768xf32, #tpu.memory_space<vmem>> -> memref<1x32x768xf32, #tpu.memory_space<vmem>>
    %dma_wait3A_183 = tpu.memref_squeeze %dma_wait3A_182 : memref<1x32x768xf32, #tpu.memory_space<vmem>> -> memref<32x768xf32, #tpu.memory_space<vmem>>
    tpu.wait_dma2 semaphore(%arg8 : memref<!tpu.dma_semaphore, #tpu.memory_space<semaphore_mem>>) src(%dma_wait3A_183 : memref<32x768xf32, #tpu.memory_space<vmem>>) dst(%dma_wait3A_179 : memref<32x768xf32, #tpu.memory_space<hbm>>)
    %dma_start3A_184 = arith.constant 1 : i32
    %dma_start3A_185 = arith.constant 0 : i32
    %dma_start3A_186 = arith.constant 0 : i32
    %dma_start3A_187 = tpu.memref_slice %arg6[%dma_start3A_184, %dma_start3A_185, %dma_start3A_186] : memref<4x32x768xf32, #tpu.memory_space<vmem>> -> memref<1x32x768xf32, #tpu.memory_space<vmem>>
    %dma_start3A_188 = tpu.memref_squeeze %dma_start3A_187 : memref<1x32x768xf32, #tpu.memory_space<vmem>> -> memref<32x768xf32, #tpu.memory_space<vmem>>
    %dma_start3A_189 = arith.constant 160 : i32
    %dma_start3A_190 = tpu.memref_slice %arg5[%dma_start3A_189] : memref<256xi32, #tpu.memory_space<vmem>> -> memref<32xi32, #tpu.memory_space<vmem>>
    %dma_start3A_191 = arith.constant 0 : i32
    %dma_start3A_192 = arith.constant 0 : i32
    %dma_start3A_193 = tpu.memref_slice %arg2[%dma_start3A_191, %dma_start3A_192] : memref<100000x768xf32, #tpu.memory_space<hbm>> -> memref<100000x768xf32, #tpu.memory_space<hbm>>
    tpu.enqueue_indirect_dma source(%dma_start3A_193 : memref<100000x768xf32, #tpu.memory_space<hbm>>) target(%dma_start3A_188 : memref<32x768xf32, #tpu.memory_space<vmem>>) offsets(%dma_start3A_190 : memref<32xi32, #tpu.memory_space<vmem>>) semaphore(%arg7 : memref<!tpu.dma_semaphore, #tpu.memory_space<semaphore_mem>>)
    %dma_wait3A_194 = arith.constant 3 : i32
    %dma_wait3A_195 = arith.constant 0 : i32
    %dma_wait3A_196 = arith.constant 0 : i32
    %dma_wait3A_197 = tpu.memref_slice %arg6[%dma_wait3A_194, %dma_wait3A_195, %dma_wait3A_196] : memref<4x32x768xf32, #tpu.memory_space<vmem>> -> memref<1x32x768xf32, #tpu.memory_space<vmem>>
    %dma_wait3A_198 = tpu.memref_squeeze %dma_wait3A_197 : memref<1x32x768xf32, #tpu.memory_space<vmem>> -> memref<32x768xf32, #tpu.memory_space<vmem>>
    %dma_wait3A_199 = arith.constant 96 : i32
    %dma_wait3A_200 = tpu.memref_slice %arg5[%dma_wait3A_199] : memref<256xi32, #tpu.memory_space<vmem>> -> memref<32xi32, #tpu.memory_space<vmem>>
    %dma_wait3A_201 = arith.constant 0 : i32
    %dma_wait3A_202 = arith.constant 0 : i32
    %dma_wait3A_203 = tpu.memref_slice %arg2[%dma_wait3A_201, %dma_wait3A_202] : memref<100000x768xf32, #tpu.memory_space<hbm>> -> memref<100000x768xf32, #tpu.memory_space<hbm>>
    tpu.wait_indirect_dma semaphore(%arg7 : memref<!tpu.dma_semaphore, #tpu.memory_space<semaphore_mem>>) src(%dma_wait3A_203 : memref<100000x768xf32, #tpu.memory_space<hbm>>) dst(%dma_wait3A_198 : memref<32x768xf32, #tpu.memory_space<vmem>>)
    %add3A_204 = arith.constant 96 : i32
    %add3A_205 = arith.addi %mul3A_2, %add3A_204 : i32
    %dma_start3A_206 = arith.constant 3 : i32
    %dma_start3A_207 = arith.constant 0 : i32
    %dma_start3A_208 = arith.constant 0 : i32
    %dma_start3A_209 = tpu.memref_slice %arg6[%dma_start3A_206, %dma_start3A_207, %dma_start3A_208] : memref<4x32x768xf32, #tpu.memory_space<vmem>> -> memref<1x32x768xf32, #tpu.memory_space<vmem>>
    %dma_start3A_210 = tpu.memref_squeeze %dma_start3A_209 : memref<1x32x768xf32, #tpu.memory_space<vmem>> -> memref<32x768xf32, #tpu.memory_space<vmem>>
    %dma_start3A_211 = arith.constant 0 : i32
    %dma_start3A_212 = tpu.memref_slice %arg4[%add3A_205, %dma_start3A_211] : memref<8192x768xf32, #tpu.memory_space<hbm>> -> memref<32x768xf32, #tpu.memory_space<hbm>>
    %dma_start3A_213 = arith.constant 0 : i32
    %dma_start3A_214 = tpu.memref_slice %arg4[%add3A_205, %dma_start3A_213] : memref<8192x768xf32, #tpu.memory_space<hbm>> -> memref<32x768xf32, #tpu.memory_space<hbm>>
    %dma_start3A_215 = arith.constant 0 : i32
    %dma_start3A_216 = arith.constant 0 : i32
    %dma_start3A_217 = tpu.memref_slice %arg6[%dma_start3A_206, %dma_start3A_215, %dma_start3A_216] : memref<4x32x768xf32, #tpu.memory_space<vmem>> -> memref<1x32x768xf32, #tpu.memory_space<vmem>>
    %dma_start3A_218 = tpu.memref_squeeze %dma_start3A_217 : memref<1x32x768xf32, #tpu.memory_space<vmem>> -> memref<32x768xf32, #tpu.memory_space<vmem>>
    tpu.enqueue_dma source(%dma_start3A_218 : memref<32x768xf32, #tpu.memory_space<vmem>>) target(%dma_start3A_214 : memref<32x768xf32, #tpu.memory_space<hbm>>) target_semaphore(%arg8 : memref<!tpu.dma_semaphore, #tpu.memory_space<semaphore_mem>>)
    %dma_wait3A_219 = arith.constant 2 : i32
    %dma_wait3A_220 = arith.constant 0 : i32
    %dma_wait3A_221 = arith.constant 0 : i32
    %dma_wait3A_222 = tpu.memref_slice %arg6[%dma_wait3A_219, %dma_wait3A_220, %dma_wait3A_221] : memref<4x32x768xf32, #tpu.memory_space<vmem>> -> memref<1x32x768xf32, #tpu.memory_space<vmem>>
    %dma_wait3A_223 = tpu.memref_squeeze %dma_wait3A_222 : memref<1x32x768xf32, #tpu.memory_space<vmem>> -> memref<32x768xf32, #tpu.memory_space<vmem>>
    %dma_wait3A_224 = arith.constant 0 : i32
    %dma_wait3A_225 = tpu.memref_slice %arg4[%add3A_157, %dma_wait3A_224] : memref<8192x768xf32, #tpu.memory_space<hbm>> -> memref<32x768xf32, #tpu.memory_space<hbm>>
    %dma_wait3A_226 = arith.constant 0 : i32
    %dma_wait3A_227 = tpu.memref_slice %arg4[%add3A_157, %dma_wait3A_226] : memref<8192x768xf32, #tpu.memory_space<hbm>> -> memref<32x768xf32, #tpu.memory_space<hbm>>
    %dma_wait3A_228 = arith.constant 0 : i32
    %dma_wait3A_229 = arith.constant 0 : i32
    %dma_wait3A_230 = tpu.memref_slice %arg6[%dma_wait3A_219, %dma_wait3A_228, %dma_wait3A_229] : memref<4x32x768xf32, #tpu.memory_space<vmem>> -> memref<1x32x768xf32, #tpu.memory_space<vmem>>
    %dma_wait3A_231 = tpu.memref_squeeze %dma_wait3A_230 : memref<1x32x768xf32, #tpu.memory_space<vmem>> -> memref<32x768xf32, #tpu.memory_space<vmem>>
    tpu.wait_dma2 semaphore(%arg8 : memref<!tpu.dma_semaphore, #tpu.memory_space<semaphore_mem>>) src(%dma_wait3A_231 : memref<32x768xf32, #tpu.memory_space<vmem>>) dst(%dma_wait3A_227 : memref<32x768xf32, #tpu.memory_space<hbm>>)
    %dma_start3A_232 = arith.constant 2 : i32
    %dma_start3A_233 = arith.constant 0 : i32
    %dma_start3A_234 = arith.constant 0 : i32
    %dma_start3A_235 = tpu.memref_slice %arg6[%dma_start3A_232, %dma_start3A_233, %dma_start3A_234] : memref<4x32x768xf32, #tpu.memory_space<vmem>> -> memref<1x32x768xf32, #tpu.memory_space<vmem>>
    %dma_start3A_236 = tpu.memref_squeeze %dma_start3A_235 : memref<1x32x768xf32, #tpu.memory_space<vmem>> -> memref<32x768xf32, #tpu.memory_space<vmem>>
    %dma_start3A_237 = arith.constant 192 : i32
    %dma_start3A_238 = tpu.memref_slice %arg5[%dma_start3A_237] : memref<256xi32, #tpu.memory_space<vmem>> -> memref<32xi32, #tpu.memory_space<vmem>>
    %dma_start3A_239 = arith.constant 0 : i32
    %dma_start3A_240 = arith.constant 0 : i32
    %dma_start3A_241 = tpu.memref_slice %arg2[%dma_start3A_239, %dma_start3A_240] : memref<100000x768xf32, #tpu.memory_space<hbm>> -> memref<100000x768xf32, #tpu.memory_space<hbm>>
    tpu.enqueue_indirect_dma source(%dma_start3A_241 : memref<100000x768xf32, #tpu.memory_space<hbm>>) target(%dma_start3A_236 : memref<32x768xf32, #tpu.memory_space<vmem>>) offsets(%dma_start3A_238 : memref<32xi32, #tpu.memory_space<vmem>>) semaphore(%arg7 : memref<!tpu.dma_semaphore, #tpu.memory_space<semaphore_mem>>)
    %dma_wait3A_242 = arith.constant 0 : i32
    %dma_wait3A_243 = arith.constant 0 : i32
    %dma_wait3A_244 = arith.constant 0 : i32
    %dma_wait3A_245 = tpu.memref_slice %arg6[%dma_wait3A_242, %dma_wait3A_243, %dma_wait3A_244] : memref<4x32x768xf32, #tpu.memory_space<vmem>> -> memref<1x32x768xf32, #tpu.memory_space<vmem>>
    %dma_wait3A_246 = tpu.memref_squeeze %dma_wait3A_245 : memref<1x32x768xf32, #tpu.memory_space<vmem>> -> memref<32x768xf32, #tpu.memory_space<vmem>>
    %dma_wait3A_247 = arith.constant 128 : i32
    %dma_wait3A_248 = tpu.memref_slice %arg5[%dma_wait3A_247] : memref<256xi32, #tpu.memory_space<vmem>> -> memref<32xi32, #tpu.memory_space<vmem>>
    %dma_wait3A_249 = arith.constant 0 : i32
    %dma_wait3A_250 = arith.constant 0 : i32
    %dma_wait3A_251 = tpu.memref_slice %arg2[%dma_wait3A_249, %dma_wait3A_250] : memref<100000x768xf32, #tpu.memory_space<hbm>> -> memref<100000x768xf32, #tpu.memory_space<hbm>>
    tpu.wait_indirect_dma semaphore(%arg7 : memref<!tpu.dma_semaphore, #tpu.memory_space<semaphore_mem>>) src(%dma_wait3A_251 : memref<100000x768xf32, #tpu.memory_space<hbm>>) dst(%dma_wait3A_246 : memref<32x768xf32, #tpu.memory_space<vmem>>)
    %add3A_252 = arith.constant 128 : i32
    %add3A_253 = arith.addi %mul3A_2, %add3A_252 : i32
    %dma_start3A_254 = arith.constant 0 : i32
    %dma_start3A_255 = arith.constant 0 : i32
    %dma_start3A_256 = arith.constant 0 : i32
    %dma_start3A_257 = tpu.memref_slice %arg6[%dma_start3A_254, %dma_start3A_255, %dma_start3A_256] : memref<4x32x768xf32, #tpu.memory_space<vmem>> -> memref<1x32x768xf32, #tpu.memory_space<vmem>>
    %dma_start3A_258 = tpu.memref_squeeze %dma_start3A_257 : memref<1x32x768xf32, #tpu.memory_space<vmem>> -> memref<32x768xf32, #tpu.memory_space<vmem>>
    %dma_start3A_259 = arith.constant 0 : i32
    %dma_start3A_260 = tpu.memref_slice %arg4[%add3A_253, %dma_start3A_259] : memref<8192x768xf32, #tpu.memory_space<hbm>> -> memref<32x768xf32, #tpu.memory_space<hbm>>
    %dma_start3A_261 = arith.constant 0 : i32
    %dma_start3A_262 = tpu.memref_slice %arg4[%add3A_253, %dma_start3A_261] : memref<8192x768xf32, #tpu.memory_space<hbm>> -> memref<32x768xf32, #tpu.memory_space<hbm>>
    %dma_start3A_263 = arith.constant 0 : i32
    %dma_start3A_264 = arith.constant 0 : i32
    %dma_start3A_265 = tpu.memref_slice %arg6[%dma_start3A_254, %dma_start3A_263, %dma_start3A_264] : memref<4x32x768xf32, #tpu.memory_space<vmem>> -> memref<1x32x768xf32, #tpu.memory_space<vmem>>
    %dma_start3A_266 = tpu.memref_squeeze %dma_start3A_265 : memref<1x32x768xf32, #tpu.memory_space<vmem>> -> memref<32x768xf32, #tpu.memory_space<vmem>>
    tpu.enqueue_dma source(%dma_start3A_266 : memref<32x768xf32, #tpu.memory_space<vmem>>) target(%dma_start3A_262 : memref<32x768xf32, #tpu.memory_space<hbm>>) target_semaphore(%arg8 : memref<!tpu.dma_semaphore, #tpu.memory_space<semaphore_mem>>)
    %dma_wait3A_267 = arith.constant 3 : i32
    %dma_wait3A_268 = arith.constant 0 : i32
    %dma_wait3A_269 = arith.constant 0 : i32
    %dma_wait3A_270 = tpu.memref_slice %arg6[%dma_wait3A_267, %dma_wait3A_268, %dma_wait3A_269] : memref<4x32x768xf32, #tpu.memory_space<vmem>> -> memref<1x32x768xf32, #tpu.memory_space<vmem>>
    %dma_wait3A_271 = tpu.memref_squeeze %dma_wait3A_270 : memref<1x32x768xf32, #tpu.memory_space<vmem>> -> memref<32x768xf32, #tpu.memory_space<vmem>>
    %dma_wait3A_272 = arith.constant 0 : i32
    %dma_wait3A_273 = tpu.memref_slice %arg4[%add3A_205, %dma_wait3A_272] : memref<8192x768xf32, #tpu.memory_space<hbm>> -> memref<32x768xf32, #tpu.memory_space<hbm>>
    %dma_wait3A_274 = arith.constant 0 : i32
    %dma_wait3A_275 = tpu.memref_slice %arg4[%add3A_205, %dma_wait3A_274] : memref<8192x768xf32, #tpu.memory_space<hbm>> -> memref<32x768xf32, #tpu.memory_space<hbm>>
    %dma_wait3A_276 = arith.constant 0 : i32
    %dma_wait3A_277 = arith.constant 0 : i32
    %dma_wait3A_278 = tpu.memref_slice %arg6[%dma_wait3A_267, %dma_wait3A_276, %dma_wait3A_277] : memref<4x32x768xf32, #tpu.memory_space<vmem>> -> memref<1x32x768xf32, #tpu.memory_space<vmem>>
    %dma_wait3A_279 = tpu.memref_squeeze %dma_wait3A_278 : memref<1x32x768xf32, #tpu.memory_space<vmem>> -> memref<32x768xf32, #tpu.memory_space<vmem>>
    tpu.wait_dma2 semaphore(%arg8 : memref<!tpu.dma_semaphore, #tpu.memory_space<semaphore_mem>>) src(%dma_wait3A_279 : memref<32x768xf32, #tpu.memory_space<vmem>>) dst(%dma_wait3A_275 : memref<32x768xf32, #tpu.memory_space<hbm>>)
    %dma_start3A_280 = arith.constant 3 : i32
    %dma_start3A_281 = arith.constant 0 : i32
    %dma_start3A_282 = arith.constant 0 : i32
    %dma_start3A_283 = tpu.memref_slice %arg6[%dma_start3A_280, %dma_start3A_281, %dma_start3A_282] : memref<4x32x768xf32, #tpu.memory_space<vmem>> -> memref<1x32x768xf32, #tpu.memory_space<vmem>>
    %dma_start3A_284 = tpu.memref_squeeze %dma_start3A_283 : memref<1x32x768xf32, #tpu.memory_space<vmem>> -> memref<32x768xf32, #tpu.memory_space<vmem>>
    %dma_start3A_285 = arith.constant 224 : i32
    %dma_start3A_286 = tpu.memref_slice %arg5[%dma_start3A_285] : memref<256xi32, #tpu.memory_space<vmem>> -> memref<32xi32, #tpu.memory_space<vmem>>
    %dma_start3A_287 = arith.constant 0 : i32
    %dma_start3A_288 = arith.constant 0 : i32
    %dma_start3A_289 = tpu.memref_slice %arg2[%dma_start3A_287, %dma_start3A_288] : memref<100000x768xf32, #tpu.memory_space<hbm>> -> memref<100000x768xf32, #tpu.memory_space<hbm>>
    tpu.enqueue_indirect_dma source(%dma_start3A_289 : memref<100000x768xf32, #tpu.memory_space<hbm>>) target(%dma_start3A_284 : memref<32x768xf32, #tpu.memory_space<vmem>>) offsets(%dma_start3A_286 : memref<32xi32, #tpu.memory_space<vmem>>) semaphore(%arg7 : memref<!tpu.dma_semaphore, #tpu.memory_space<semaphore_mem>>)
    %dma_wait3A_290 = arith.constant 1 : i32
    %dma_wait3A_291 = arith.constant 0 : i32
    %dma_wait3A_292 = arith.constant 0 : i32
    %dma_wait3A_293 = tpu.memref_slice %arg6[%dma_wait3A_290, %dma_wait3A_291, %dma_wait3A_292] : memref<4x32x768xf32, #tpu.memory_space<vmem>> -> memref<1x32x768xf32, #tpu.memory_space<vmem>>
    %dma_wait3A_294 = tpu.memref_squeeze %dma_wait3A_293 : memref<1x32x768xf32, #tpu.memory_space<vmem>> -> memref<32x768xf32, #tpu.memory_space<vmem>>
    %dma_wait3A_295 = arith.constant 160 : i32
    %dma_wait3A_296 = tpu.memref_slice %arg5[%dma_wait3A_295] : memref<256xi32, #tpu.memory_space<vmem>> -> memref<32xi32, #tpu.memory_space<vmem>>
    %dma_wait3A_297 = arith.constant 0 : i32
    %dma_wait3A_298 = arith.constant 0 : i32
    %dma_wait3A_299 = tpu.memref_slice %arg2[%dma_wait3A_297, %dma_wait3A_298] : memref<100000x768xf32, #tpu.memory_space<hbm>> -> memref<100000x768xf32, #tpu.memory_space<hbm>>
    tpu.wait_indirect_dma semaphore(%arg7 : memref<!tpu.dma_semaphore, #tpu.memory_space<semaphore_mem>>) src(%dma_wait3A_299 : memref<100000x768xf32, #tpu.memory_space<hbm>>) dst(%dma_wait3A_294 : memref<32x768xf32, #tpu.memory_space<vmem>>)
    %add3A_300 = arith.constant 160 : i32
    %add3A_301 = arith.addi %mul3A_2, %add3A_300 : i32
    %dma_start3A_302 = arith.constant 1 : i32
    %dma_start3A_303 = arith.constant 0 : i32
    %dma_start3A_304 = arith.constant 0 : i32
    %dma_start3A_305 = tpu.memref_slice %arg6[%dma_start3A_302, %dma_start3A_303, %dma_start3A_304] : memref<4x32x768xf32, #tpu.memory_space<vmem>> -> memref<1x32x768xf32, #tpu.memory_space<vmem>>
    %dma_start3A_306 = tpu.memref_squeeze %dma_start3A_305 : memref<1x32x768xf32, #tpu.memory_space<vmem>> -> memref<32x768xf32, #tpu.memory_space<vmem>>
    %dma_start3A_307 = arith.constant 0 : i32
    %dma_start3A_308 = tpu.memref_slice %arg4[%add3A_301, %dma_start3A_307] : memref<8192x768xf32, #tpu.memory_space<hbm>> -> memref<32x768xf32, #tpu.memory_space<hbm>>
    %dma_start3A_309 = arith.constant 0 : i32
    %dma_start3A_310 = tpu.memref_slice %arg4[%add3A_301, %dma_start3A_309] : memref<8192x768xf32, #tpu.memory_space<hbm>> -> memref<32x768xf32, #tpu.memory_space<hbm>>
    %dma_start3A_311 = arith.constant 0 : i32
    %dma_start3A_312 = arith.constant 0 : i32
    %dma_start3A_313 = tpu.memref_slice %arg6[%dma_start3A_302, %dma_start3A_311, %dma_start3A_312] : memref<4x32x768xf32, #tpu.memory_space<vmem>> -> memref<1x32x768xf32, #tpu.memory_space<vmem>>
    %dma_start3A_314 = tpu.memref_squeeze %dma_start3A_313 : memref<1x32x768xf32, #tpu.memory_space<vmem>> -> memref<32x768xf32, #tpu.memory_space<vmem>>
    tpu.enqueue_dma source(%dma_start3A_314 : memref<32x768xf32, #tpu.memory_space<vmem>>) target(%dma_start3A_310 : memref<32x768xf32, #tpu.memory_space<hbm>>) target_semaphore(%arg8 : memref<!tpu.dma_semaphore, #tpu.memory_space<semaphore_mem>>)
    %dma_wait3A_315 = arith.constant 2 : i32
    %dma_wait3A_316 = arith.constant 0 : i32
    %dma_wait3A_317 = arith.constant 0 : i32
    %dma_wait3A_318 = tpu.memref_slice %arg6[%dma_wait3A_315, %dma_wait3A_316, %dma_wait3A_317] : memref<4x32x768xf32, #tpu.memory_space<vmem>> -> memref<1x32x768xf32, #tpu.memory_space<vmem>>
    %dma_wait3A_319 = tpu.memref_squeeze %dma_wait3A_318 : memref<1x32x768xf32, #tpu.memory_space<vmem>> -> memref<32x768xf32, #tpu.memory_space<vmem>>
    %dma_wait3A_320 = arith.constant 192 : i32
    %dma_wait3A_321 = tpu.memref_slice %arg5[%dma_wait3A_320] : memref<256xi32, #tpu.memory_space<vmem>> -> memref<32xi32, #tpu.memory_space<vmem>>
    %dma_wait3A_322 = arith.constant 0 : i32
    %dma_wait3A_323 = arith.constant 0 : i32
    %dma_wait3A_324 = tpu.memref_slice %arg2[%dma_wait3A_322, %dma_wait3A_323] : memref<100000x768xf32, #tpu.memory_space<hbm>> -> memref<100000x768xf32, #tpu.memory_space<hbm>>
    tpu.wait_indirect_dma semaphore(%arg7 : memref<!tpu.dma_semaphore, #tpu.memory_space<semaphore_mem>>) src(%dma_wait3A_324 : memref<100000x768xf32, #tpu.memory_space<hbm>>) dst(%dma_wait3A_319 : memref<32x768xf32, #tpu.memory_space<vmem>>)
    %add3A_325 = arith.constant 192 : i32
    %add3A_326 = arith.addi %mul3A_2, %add3A_325 : i32
    %dma_start3A_327 = arith.constant 2 : i32
    %dma_start3A_328 = arith.constant 0 : i32
    %dma_start3A_329 = arith.constant 0 : i32
    %dma_start3A_330 = tpu.memref_slice %arg6[%dma_start3A_327, %dma_start3A_328, %dma_start3A_329] : memref<4x32x768xf32, #tpu.memory_space<vmem>> -> memref<1x32x768xf32, #tpu.memory_space<vmem>>
    %dma_start3A_331 = tpu.memref_squeeze %dma_start3A_330 : memref<1x32x768xf32, #tpu.memory_space<vmem>> -> memref<32x768xf32, #tpu.memory_space<vmem>>
    %dma_start3A_332 = arith.constant 0 : i32
    %dma_start3A_333 = tpu.memref_slice %arg4[%add3A_326, %dma_start3A_332] : memref<8192x768xf32, #tpu.memory_space<hbm>> -> memref<32x768xf32, #tpu.memory_space<hbm>>
    %dma_start3A_334 = arith.constant 0 : i32
    %dma_start3A_335 = tpu.memref_slice %arg4[%add3A_326, %dma_start3A_334] : memref<8192x768xf32, #tpu.memory_space<hbm>> -> memref<32x768xf32, #tpu.memory_space<hbm>>
    %dma_start3A_336 = arith.constant 0 : i32
    %dma_start3A_337 = arith.constant 0 : i32
    %dma_start3A_338 = tpu.memref_slice %arg6[%dma_start3A_327, %dma_start3A_336, %dma_start3A_337] : memref<4x32x768xf32, #tpu.memory_space<vmem>> -> memref<1x32x768xf32, #tpu.memory_space<vmem>>
    %dma_start3A_339 = tpu.memref_squeeze %dma_start3A_338 : memref<1x32x768xf32, #tpu.memory_space<vmem>> -> memref<32x768xf32, #tpu.memory_space<vmem>>
    tpu.enqueue_dma source(%dma_start3A_339 : memref<32x768xf32, #tpu.memory_space<vmem>>) target(%dma_start3A_335 : memref<32x768xf32, #tpu.memory_space<hbm>>) target_semaphore(%arg8 : memref<!tpu.dma_semaphore, #tpu.memory_space<semaphore_mem>>)
    %dma_wait3A_340 = arith.constant 3 : i32
    %dma_wait3A_341 = arith.constant 0 : i32
    %dma_wait3A_342 = arith.constant 0 : i32
    %dma_wait3A_343 = tpu.memref_slice %arg6[%dma_wait3A_340, %dma_wait3A_341, %dma_wait3A_342] : memref<4x32x768xf32, #tpu.memory_space<vmem>> -> memref<1x32x768xf32, #tpu.memory_space<vmem>>
    %dma_wait3A_344 = tpu.memref_squeeze %dma_wait3A_343 : memref<1x32x768xf32, #tpu.memory_space<vmem>> -> memref<32x768xf32, #tpu.memory_space<vmem>>
    %dma_wait3A_345 = arith.constant 224 : i32
    %dma_wait3A_346 = tpu.memref_slice %arg5[%dma_wait3A_345] : memref<256xi32, #tpu.memory_space<vmem>> -> memref<32xi32, #tpu.memory_space<vmem>>
    %dma_wait3A_347 = arith.constant 0 : i32
    %dma_wait3A_348 = arith.constant 0 : i32
    %dma_wait3A_349 = tpu.memref_slice %arg2[%dma_wait3A_347, %dma_wait3A_348] : memref<100000x768xf32, #tpu.memory_space<hbm>> -> memref<100000x768xf32, #tpu.memory_space<hbm>>
    tpu.wait_indirect_dma semaphore(%arg7 : memref<!tpu.dma_semaphore, #tpu.memory_space<semaphore_mem>>) src(%dma_wait3A_349 : memref<100000x768xf32, #tpu.memory_space<hbm>>) dst(%dma_wait3A_344 : memref<32x768xf32, #tpu.memory_space<vmem>>)
    %add3A_350 = arith.constant 224 : i32
    %add3A_351 = arith.addi %mul3A_2, %add3A_350 : i32
    %dma_start3A_352 = arith.constant 3 : i32
    %dma_start3A_353 = arith.constant 0 : i32
    %dma_start3A_354 = arith.constant 0 : i32
    %dma_start3A_355 = tpu.memref_slice %arg6[%dma_start3A_352, %dma_start3A_353, %dma_start3A_354] : memref<4x32x768xf32, #tpu.memory_space<vmem>> -> memref<1x32x768xf32, #tpu.memory_space<vmem>>
    %dma_start3A_356 = tpu.memref_squeeze %dma_start3A_355 : memref<1x32x768xf32, #tpu.memory_space<vmem>> -> memref<32x768xf32, #tpu.memory_space<vmem>>
    %dma_start3A_357 = arith.constant 0 : i32
    %dma_start3A_358 = tpu.memref_slice %arg4[%add3A_351, %dma_start3A_357] : memref<8192x768xf32, #tpu.memory_space<hbm>> -> memref<32x768xf32, #tpu.memory_space<hbm>>
    %dma_start3A_359 = arith.constant 0 : i32
    %dma_start3A_360 = tpu.memref_slice %arg4[%add3A_351, %dma_start3A_359] : memref<8192x768xf32, #tpu.memory_space<hbm>> -> memref<32x768xf32, #tpu.memory_space<hbm>>
    %dma_start3A_361 = arith.constant 0 : i32
    %dma_start3A_362 = arith.constant 0 : i32
    %dma_start3A_363 = tpu.memref_slice %arg6[%dma_start3A_352, %dma_start3A_361, %dma_start3A_362] : memref<4x32x768xf32, #tpu.memory_space<vmem>> -> memref<1x32x768xf32, #tpu.memory_space<vmem>>
    %dma_start3A_364 = tpu.memref_squeeze %dma_start3A_363 : memref<1x32x768xf32, #tpu.memory_space<vmem>> -> memref<32x768xf32, #tpu.memory_space<vmem>>
    tpu.enqueue_dma source(%dma_start3A_364 : memref<32x768xf32, #tpu.memory_space<vmem>>) target(%dma_start3A_360 : memref<32x768xf32, #tpu.memory_space<hbm>>) target_semaphore(%arg8 : memref<!tpu.dma_semaphore, #tpu.memory_space<semaphore_mem>>)
    %dma_wait3A_365 = arith.constant 0 : i32
    %dma_wait3A_366 = arith.constant 0 : i32
    %dma_wait3A_367 = arith.constant 0 : i32
    %dma_wait3A_368 = tpu.memref_slice %arg6[%dma_wait3A_365, %dma_wait3A_366, %dma_wait3A_367] : memref<4x32x768xf32, #tpu.memory_space<vmem>> -> memref<1x32x768xf32, #tpu.memory_space<vmem>>
    %dma_wait3A_369 = tpu.memref_squeeze %dma_wait3A_368 : memref<1x32x768xf32, #tpu.memory_space<vmem>> -> memref<32x768xf32, #tpu.memory_space<vmem>>
    %dma_wait3A_370 = arith.constant 0 : i32
    %dma_wait3A_371 = tpu.memref_slice %arg4[%add3A_253, %dma_wait3A_370] : memref<8192x768xf32, #tpu.memory_space<hbm>> -> memref<32x768xf32, #tpu.memory_space<hbm>>
    %dma_wait3A_372 = arith.constant 0 : i32
    %dma_wait3A_373 = tpu.memref_slice %arg4[%add3A_253, %dma_wait3A_372] : memref<8192x768xf32, #tpu.memory_space<hbm>> -> memref<32x768xf32, #tpu.memory_space<hbm>>
    %dma_wait3A_374 = arith.constant 0 : i32
    %dma_wait3A_375 = arith.constant 0 : i32
    %dma_wait3A_376 = tpu.memref_slice %arg6[%dma_wait3A_365, %dma_wait3A_374, %dma_wait3A_375] : memref<4x32x768xf32, #tpu.memory_space<vmem>> -> memref<1x32x768xf32, #tpu.memory_space<vmem>>
    %dma_wait3A_377 = tpu.memref_squeeze %dma_wait3A_376 : memref<1x32x768xf32, #tpu.memory_space<vmem>> -> memref<32x768xf32, #tpu.memory_space<vmem>>
    tpu.wait_dma2 semaphore(%arg8 : memref<!tpu.dma_semaphore, #tpu.memory_space<semaphore_mem>>) src(%dma_wait3A_377 : memref<32x768xf32, #tpu.memory_space<vmem>>) dst(%dma_wait3A_373 : memref<32x768xf32, #tpu.memory_space<hbm>>)
    %dma_wait3A_378 = arith.constant 1 : i32
    %dma_wait3A_379 = arith.constant 0 : i32
    %dma_wait3A_380 = arith.constant 0 : i32
    %dma_wait3A_381 = tpu.memref_slice %arg6[%dma_wait3A_378, %dma_wait3A_379, %dma_wait3A_380] : memref<4x32x768xf32, #tpu.memory_space<vmem>> -> memref<1x32x768xf32, #tpu.memory_space<vmem>>
    %dma_wait3A_382 = tpu.memref_squeeze %dma_wait3A_381 : memref<1x32x768xf32, #tpu.memory_space<vmem>> -> memref<32x768xf32, #tpu.memory_space<vmem>>
    %dma_wait3A_383 = arith.constant 0 : i32
    %dma_wait3A_384 = tpu.memref_slice %arg4[%add3A_301, %dma_wait3A_383] : memref<8192x768xf32, #tpu.memory_space<hbm>> -> memref<32x768xf32, #tpu.memory_space<hbm>>
    %dma_wait3A_385 = arith.constant 0 : i32
    %dma_wait3A_386 = tpu.memref_slice %arg4[%add3A_301, %dma_wait3A_385] : memref<8192x768xf32, #tpu.memory_space<hbm>> -> memref<32x768xf32, #tpu.memory_space<hbm>>
    %dma_wait3A_387 = arith.constant 0 : i32
    %dma_wait3A_388 = arith.constant 0 : i32
    %dma_wait3A_389 = tpu.memref_slice %arg6[%dma_wait3A_378, %dma_wait3A_387, %dma_wait3A_388] : memref<4x32x768xf32, #tpu.memory_space<vmem>> -> memref<1x32x768xf32, #tpu.memory_space<vmem>>
    %dma_wait3A_390 = tpu.memref_squeeze %dma_wait3A_389 : memref<1x32x768xf32, #tpu.memory_space<vmem>> -> memref<32x768xf32, #tpu.memory_space<vmem>>
    tpu.wait_dma2 semaphore(%arg8 : memref<!tpu.dma_semaphore, #tpu.memory_space<semaphore_mem>>) src(%dma_wait3A_390 : memref<32x768xf32, #tpu.memory_space<vmem>>) dst(%dma_wait3A_386 : memref<32x768xf32, #tpu.memory_space<hbm>>)
    %dma_wait3A_391 = arith.constant 2 : i32
    %dma_wait3A_392 = arith.constant 0 : i32
    %dma_wait3A_393 = arith.constant 0 : i32
    %dma_wait3A_394 = tpu.memref_slice %arg6[%dma_wait3A_391, %dma_wait3A_392, %dma_wait3A_393] : memref<4x32x768xf32, #tpu.memory_space<vmem>> -> memref<1x32x768xf32, #tpu.memory_space<vmem>>
    %dma_wait3A_395 = tpu.memref_squeeze %dma_wait3A_394 : memref<1x32x768xf32, #tpu.memory_space<vmem>> -> memref<32x768xf32, #tpu.memory_space<vmem>>
    %dma_wait3A_396 = arith.constant 0 : i32
    %dma_wait3A_397 = tpu.memref_slice %arg4[%add3A_326, %dma_wait3A_396] : memref<8192x768xf32, #tpu.memory_space<hbm>> -> memref<32x768xf32, #tpu.memory_space<hbm>>
    %dma_wait3A_398 = arith.constant 0 : i32
    %dma_wait3A_399 = tpu.memref_slice %arg4[%add3A_326, %dma_wait3A_398] : memref<8192x768xf32, #tpu.memory_space<hbm>> -> memref<32x768xf32, #tpu.memory_space<hbm>>
    %dma_wait3A_400 = arith.constant 0 : i32
    %dma_wait3A_401 = arith.constant 0 : i32
    %dma_wait3A_402 = tpu.memref_slice %arg6[%dma_wait3A_391, %dma_wait3A_400, %dma_wait3A_401] : memref<4x32x768xf32, #tpu.memory_space<vmem>> -> memref<1x32x768xf32, #tpu.memory_space<vmem>>
    %dma_wait3A_403 = tpu.memref_squeeze %dma_wait3A_402 : memref<1x32x768xf32, #tpu.memory_space<vmem>> -> memref<32x768xf32, #tpu.memory_space<vmem>>
    tpu.wait_dma2 semaphore(%arg8 : memref<!tpu.dma_semaphore, #tpu.memory_space<semaphore_mem>>) src(%dma_wait3A_403 : memref<32x768xf32, #tpu.memory_space<vmem>>) dst(%dma_wait3A_399 : memref<32x768xf32, #tpu.memory_space<hbm>>)
    %dma_wait3A_404 = arith.constant 3 : i32
    %dma_wait3A_405 = arith.constant 0 : i32
    %dma_wait3A_406 = arith.constant 0 : i32
    %dma_wait3A_407 = tpu.memref_slice %arg6[%dma_wait3A_404, %dma_wait3A_405, %dma_wait3A_406] : memref<4x32x768xf32, #tpu.memory_space<vmem>> -> memref<1x32x768xf32, #tpu.memory_space<vmem>>
    %dma_wait3A_408 = tpu.memref_squeeze %dma_wait3A_407 : memref<1x32x768xf32, #tpu.memory_space<vmem>> -> memref<32x768xf32, #tpu.memory_space<vmem>>
    %dma_wait3A_409 = arith.constant 0 : i32
    %dma_wait3A_410 = tpu.memref_slice %arg4[%add3A_351, %dma_wait3A_409] : memref<8192x768xf32, #tpu.memory_space<hbm>> -> memref<32x768xf32, #tpu.memory_space<hbm>>
    %dma_wait3A_411 = arith.constant 0 : i32
    %dma_wait3A_412 = tpu.memref_slice %arg4[%add3A_351, %dma_wait3A_411] : memref<8192x768xf32, #tpu.memory_space<hbm>> -> memref<32x768xf32, #tpu.memory_space<hbm>>
    %dma_wait3A_413 = arith.constant 0 : i32
    %dma_wait3A_414 = arith.constant 0 : i32
    %dma_wait3A_415 = tpu.memref_slice %arg6[%dma_wait3A_404, %dma_wait3A_413, %dma_wait3A_414] : memref<4x32x768xf32, #tpu.memory_space<vmem>> -> memref<1x32x768xf32, #tpu.memory_space<vmem>>
    %dma_wait3A_416 = tpu.memref_squeeze %dma_wait3A_415 : memref<1x32x768xf32, #tpu.memory_space<vmem>> -> memref<32x768xf32, #tpu.memory_space<vmem>>
    tpu.wait_dma2 semaphore(%arg8 : memref<!tpu.dma_semaphore, #tpu.memory_space<semaphore_mem>>) src(%dma_wait3A_416 : memref<32x768xf32, #tpu.memory_space<vmem>>) dst(%dma_wait3A_412 : memref<32x768xf32, #tpu.memory_space<hbm>>)
    return
  }
}

</mosaic_0001>

<sc_bundles>
// kernel: kernel.3.cloned.1.call-start
scs
__scs_entry_jumppad:
0x0: {  	(pc) =	sbr.rel $0x88, $3  }
0x1: {  	(tag) =	ssettag $0x0;
	lr =	simm.s32 $0x1  }
0x2: {  	[smem:$0x3F9F] =	sst lr;
	_ =	strace $0xD0000000  }
0x3: {  	_ = 	snop  }
0x4: {  	_ = 	snop  }
0x5: {  	_ = 	snop  }
0x6: {  	_ = 	snop  }
0x7: {  	_ = 	snop  }
__scs_overlays_trampoline_lowered:
0x8: {  	[smem:$0x3FAE] =	sst s0  }
0x9: {  	[smem:$0x3FAF] =	sst s1  }
0xa: {  	[smem:$0x3FB0] =	sst s2  }
0xb: {  	[smem:$0x3FB1] =	sst s3  }
0xc: {  	[smem:$0x3FB2] =	sst s4  }
0xd: {  	[smem:$0x3FB3] =	sst s5  }
0xe: {  	[smem:$0x3FB4] =	sst s6  }
0xf: {  	[smem:$0x3FB5] =	sst s7  }
0x10: {  	[smem:$0x3FB6] =	sst s8  }
0x11: {  	[smem:$0x3FB7] =	sst s9;
	s0 =	simm.s32 @!p0 $0x0  }
0x12: {  	s1 =	sld [smem:$0x3F9D];
	s0 =	simm.s32 @p0 $0x1  }
0x13: {  	[smem:$0x3FB8] =	sst s0;
	s0 =	simm.s32 @!p1 $0x0  }
0x14: {  	s2 =	sld [smem:$0x3F9C];
	s0 =	simm.s32 @p1 $0x1  }
0x15: {  	[smem:$0x3FB9] =	sst s0;
	s0 =	simm.s32 @!p2 $0x0  }
0x16: {  	s3 =	sld [smem:$0x3FDB];
	s0 =	simm.s32 @p2 $0x1  }
0x17: {  	s4 =	simm.s32 $0x1BF5;
	[smem:$0x3FBB] =	sst s0  }
0x18: {  	s0 =	sld [smem:$0x3F9E];
	_ =	swait.ge [sflag:s4], $0x0  }
0x19: {  	s7 =	sld [smem:$0x3F9F]  }
0x1a: {  	s8 =	sadd.s32 $0xFFFFE003, lr  }
0x1b: {  	s9 =	sadd.s32 $0xFFFFFEF7, lr;
	s5 =	simm.s32 $0xFFFFFFFF;
	p2 =	slt.u32 s8, $0xFFFFF086  }
0x1c: {  	p1 =	slt.u32 s9, $0xF7A;
	s5 =	simm.s32 @!p2 $0x0  }
0x1d: {  	s5 =	simm.s32 @p1 $0x1;
	p0 =	seq.s32 s7, s2  }
0x1e: {  	s7 =	smul.u32 @!p0 $0xF7A, s2;
	p2 =	seq.s32 @!p0 s5, $0x0  }
0x1f: {  	s9 =	smul.u32 $0xF7A, s1;
	s8 =	simm.s32 @!p0 $0x1BF5;
	p2 =	por !p2, p0  }
0x20: {  	[sflag:s8] =	ssyncset.s32 @!p0 $0xFFFFF086;
	s6 =	sadd.s32 @!p0 s3, s7;
	s7 =	simm.s32 @!p0 $0x108  }
0x21: {  	s3 =	sadd.s32 s3, s9;
	s6 =	sadd.s32 @!p0 $0x88, s6;
	s7 =	simm.s32 @p2 $0x1082  }
0x22: {  	[simem:s7], [sflag:s8] =	dma.local @!p0 [hbm:s6], $0xF7A  }
0x23: {  	s9 =	sor.u32 $0xD0000000, s2;
	s6 =	simm.s32 $0x108;
	_ =	swait.ge @!p0 [sflag:s8], $0x0  }
0x24: {  	s3 =	sadd.s32 $0x88, s3;
	s6 =	simm.s32 @!p1 $0x1082;
	[sflag:s4] =	ssyncset.s32 $0xFFFFF086  }
0x25: {  	[simem:s6], [sflag:s4] =	dma.local [hbm:s3], $0xF7A  }
0x26: {  	[smem:$0x3F9F] =	sst s1;
	(tag) =	ssettag s2;
	_ =	strace s9  }
0x27: {  	s1 =	sld [smem:$0x3FAF]  }
0x28: {  	s2 =	sld [smem:$0x3FB0]  }
0x29: {  	s4 =	sld [smem:$0x3FB2]  }
0x2a: {  	p0 =	seq.s32 s5, $0x0;
	s5 =	sld [smem:$0x3FB3]  }
0x2b: {  	s6 =	sld [smem:$0x3FB4]  }
0x2c: {  	s7 =	sld [smem:$0x3FB5]  }
0x2d: {  	s3 =	simm.s32 $0x108;
	s8 =	sld [smem:$0x3FB6]  }
0x2e: {  	s3 =	simm.s32 @!p0 $0x1082;
	s9 =	sld [smem:$0x3FB7]  }
0x2f: {  	lr =	sadd.s32 s0, s3;
	s0 =	sld [smem:$0x3FAE]  }
0x30: {  	s3 =	sld [smem:$0x3FB1]  }
0x31: {  	[smem:$0x3FBA] =	sst s10  }
0x32: {  	s10 =	sld [smem:$0x3FB8];
	_ =	sdelay $0x3  }
0x33: {  	p0 =	seq.s32 s10, $0x1;
	s10 =	sld [smem:$0x3FBA];
	_ =	sdelay $0x3  }
0x34: {  	[smem:$0x3FBA] =	sst s10  }
0x35: {  	s10 =	sld [smem:$0x3FB9];
	_ =	sdelay $0x3  }
0x36: {  	p1 =	seq.s32 s10, $0x1;
	s10 =	sld [smem:$0x3FBA];
	_ =	sdelay $0x3  }
0x37: {  	[smem:$0x3FBA] =	sst s10  }
0x38: {  	s10 =	sld [smem:$0x3FBB]  }
0x39: {  	_ = 	snop;
	(pc) =	sbr.ind lr, $3  }
0x3a: {  	_ = 	snop  }
0x3b: {  	_ = 	snop  }
0x3c: {  	p2 =	seq.s32 s10, $0x1;
	s10 =	sld [smem:$0x3FBA]  }
0x3d: {  	_ =	shalt  }
0x3e: {  	_ =	shalt  }
0x3f: {  	_ =	shalt  }
0x40: {  	_ =	shalt  }
0x41: {  	_ =	shalt  }
0x42: {  	_ =	shalt  }
0x43: {  	_ =	shalt  }
0x44: {  	_ =	shalt  }
0x45: {  	_ =	shalt  }
0x46: {  	_ =	shalt  }
0x47: {  	_ =	shalt  }
0x48: {  	_ =	shalt  }
0x49: {  	_ =	shalt  }
0x4a: {  	_ =	shalt  }
0x4b: {  	_ =	shalt  }
0x4c: {  	_ =	shalt  }
0x4d: {  	_ =	shalt  }
0x4e: {  	_ =	shalt  }
0x4f: {  	_ =	shalt  }
0x50: {  	_ =	shalt  }
0x51: {  	_ =	shalt  }
0x52: {  	_ =	shalt  }
0x53: {  	_ =	shalt  }
0x54: {  	_ =	shalt  }
0x55: {  	_ =	shalt  }
0x56: {  	_ =	shalt  }
0x57: {  	_ =	shalt  }
0x58: {  	_ =	shalt  }
0x59: {  	_ =	shalt  }
0x5a: {  	_ =	shalt  }
0x5b: {  	_ =	shalt  }
0x5c: {  	_ =	shalt  }
0x5d: {  	_ =	shalt  }
0x5e: {  	_ =	shalt  }
0x5f: {  	_ =	shalt  }
0x60: {  	_ =	shalt  }
0x61: {  	_ =	shalt  }
0x62: {  	_ =	shalt  }
0x63: {  	_ =	shalt  }
0x64: {  	_ =	shalt  }
0x65: {  	_ =	shalt  }
0x66: {  	_ =	shalt  }
0x67: {  	_ =	shalt  }
0x68: {  	_ =	shalt  }
0x69: {  	_ =	shalt  }
0x6a: {  	_ =	shalt  }
0x6b: {  	_ =	shalt  }
0x6c: {  	_ =	shalt  }
0x6d: {  	_ =	shalt  }
0x6e: {  	_ =	shalt  }
0x6f: {  	_ =	shalt  }
0x70: {  	_ =	shalt  }
0x71: {  	_ =	shalt  }
0x72: {  	_ =	shalt  }
0x73: {  	_ =	shalt  }
0x74: {  	_ =	shalt  }
0x75: {  	_ =	shalt  }
0x76: {  	_ =	shalt  }
0x77: {  	_ =	shalt  }
0x78: {  	_ =	shalt  }
0x79: {  	_ =	shalt  }
0x7a: {  	_ =	shalt  }
0x7b: {  	_ =	shalt  }
0x7c: {  	_ =	shalt  }
0x7d: {  	_ =	shalt  }
0x7e: {  	_ =	shalt  }
0x7f: {  	_ =	shalt  }
0x80: {  	_ =	shalt  }
0x81: {  	_ =	shalt  }
0x82: {  	_ =	shalt  }
0x83: {  	_ =	shalt  }
0x84: {  	_ =	shalt  }
0x85: {  	_ =	shalt  }
0x86: {  	_ =	shalt  }
0x87: {  	_ =	shalt  }
.Lfunc_end0:
.L_simem_size_0:
called_computation_lowered:
.L_overlay_start_0:
0x88: {  	s2 =	sld [smem:$0x3FD9]  }
0x89: {  	s3 =	sld [smem:$0x3FFE];
	_ =	sdelay $0x1  }
0x8a: {  	s1 =	srdreg.scid  }
0x8b: {  	s0 =	sand.u32 $0x1, s1  }
0x8c: {  	s18 =	sshll.u32 s0, $0xA;
	s2 =	sadd.s32 s3, s2  }
0x8d: {  	s2 =	sadd.s32 s2, s18  }
0x8e: {  	[smem:$0x3FC6] =	sst s2  }
0x8f: {  	_ = 	snop  }
0x90: {  	s2 =	sld [smem:$0x3FC9]  }
0x91: {  	s19 =	sld [smem:$0x3FC8]  }
0x92: {  	s4 =	sld [smem:$0x3FD0];
	(tm) =	ssettm $0x1  }
0x93: {  	s5 =	sld [smem:$0x3FFB];
	_ =	sdelay $0x3  }
0x94: {  	_ =	strace s5  }
0x95: {  	s5 =	sld [smem:$0x3FFC];
	_ =	sdelay $0x3  }
0x96: {  	_ =	strace s5  }
0x97: {  	s5 =	sld [smem:$0x3FFD];
	_ =	sdelay $0x3  }
0x98: {  	_ =	strace s5  }
0x99: {  	_ =	strace $0x8FFFFFFF  }
0x9a: {  	s20 =	sld [smem:$0x3FDB];
	_ =	sdelay $0x1  }
0x9b: {  	s6 =	simm.s32 $_scs_section_size  }
0x9c: {  	s7 =	simm.s32 $_size__tile_overlayer_lowered;
	s8 =	simm.s32 $_tile_overlayer_lowered  }
0x9d: {  	s23 =	simm.s32 $0x1BFF;
	s22 =	sshll.u32 s8, $0x1;
	s5 =	sadd.s32 s6, s20  }
0x9e: {  	s9 =	simm.s32 $0x0;
	s21 =	sshll.u32 s7, $0x1;
	s7 =	sadd.s32 s22, s5  }
0x9f: {  	[timem:s9], [sflag:s23] =	dma.local [hbm:s7], s21  }
0xa0: {  	_ =	swait.ge [sflag:s23], s21  }
0xa1: {  	s6 =	ssub.s32 $0x0, s21;
	[sflag:s23] =	ssyncset.done $0x0  }
0xa2: {  	[sflag:s23] =	ssyncadd.s32 s6;
	_ =	sdelay $0x1  }
0xa3: {  	s24 =	simm.s32 $0x1B8B  }
0xa4: {  	_ =	swait.ge [sflag:s24], $0x1  }
0xa5: {  	[sflag:s24] =	ssyncset.done $0x0  }
0xa6: {  	s25 =	simm.s32 $0x1B8E;
	[sflag:s24] =	ssyncadd.s32 $0xFFFFFFFF  }
0xa7: {  	s26 =	simm.s32 $execute0_lowered;
	[smem:$0x3FD2] =	sst s25  }
0xa8: {  	s6 =	sshll.u32 s26, $0x1;
	_ =	strace $0x80000046;
	[dreg:$0x1] =	wrdreg $0xFFFFFFFF  }
0xa9: {  	s28 =	simm.s32 $_size_execute0_lowered;
	s5 =	sadd.s32 s5, s6;
	[dreg:$0x0] =	wrdreg $0x0  }
0xaa: {  	s6 =	sshll.u32 s28, $0x1;
	[dreg:$0x2] =	wrdreg s5  }
0xab: {  	[dreg:$0x3] =	wrdreg s6  }
0xac: {  	[dreg:$0x4] =	wrdreg $0xC0  }
0xad: {  	_ =	task [dreg:s9], $0x5FFFF  }
0xae: {  	[dreg:$0x1] =	wrdreg $0xFFFFFFFF  }
0xaf: {  	[dreg:$0x0] =	wrdreg $0x60  }
0xb0: {  	[dreg:$0x2] =	wrdreg s19  }
0xb1: {  	[dreg:$0x3] =	wrdreg s2  }
0xb2: {  	[dreg:$0x4] =	wrdreg s4  }
0xb3: {  	[dreg:$0x5] =	wrdreg $0x9  }
0xb4: {  	_ =	task.clear_ibuf [dreg:s9], $0x6FFFF;
	_ =	strace $0x90000046  }
0xb5: {  	s29 =	simm.s32 $0x9;
	_ =	strace $0x80000048  }
0xb6: {  	_ =	swait.ge [sflag:s29], $0x1  }
0xb7: {  	[sflag:s29] =	ssyncadd.s32 $0xFFFFFFFF  }
0xb8: {  	_ =	strace $0x90000048  }
0xb9: {  	_ =	sfence  }
0xba: {  	s30 =	sld [smem:$0x0];
	_ =	sdelay $0x2  }
0xbb: {  	s31 =	sshll.u32 s1, $0xD;
	s1 =	sshrl.u32 s1, $0x2  }
0xbc: {  	s3 =	sand.u32 $0x4000, s31;
	s1 =	sadd.s32 s1, s30  }
0xbd: {  	s0 =	sor.u32 s3, s0;
	s1 =	sshll.u32 s1, $0x11  }
0xbe: {  	s0 =	sor.u32 s1, s0  }
0xbf: {  	s0 =	sadd.s32 $0x8F2B, s0  }
0xc0: {  	[sflag:s0] =	ssyncadd.remote.s32 $0x1  }
0xc1: {  	_ =	sfence.sel $0xFFFF  }
0xc2: {  	[dreg:$0x0] =	wrdreg $0xFFFFFFFF;
	(pc) =	sbr.abs _section_cstart, $3  }
0xc3: {  	[dreg:$0x1] =	wrdreg $0xFFFFFFFF  }
0xc4: {  	_ =	task.clear_ibuf [dreg:s9], $0x2FFFF;
	_ =	strace $0x9FFFFFFF  }
0xc5: {  	(tm) =	ssettm $0x7FFFFFFF  }
tec
execute0_lowered:
.L_overlay_start_1:
0x0: {  	(tag) =	ssettag $0x1  }
0x1: {  	s1 =	rddreg [dreg:$0x0]  }
0x2: {  	s0 =	rddreg [dreg:$0x1]  }
0x3: {  	s2 =	rddreg [dreg:$0x2]  }
0x4: {  	s4 =	srdreg.scid;
	s6 =	stileid.u32;
	s3 =	simm.s32 $0x0  }
0x5: {  	s25 =	simm.s32 $0x80;
	s26 =	simm.s32 $0x200;
	s11 =	simm.s32 $0x1  }
0x6: {  	s12 =	simm.s32 $0x2;
	s10 =	simm.s32 $0x6100;
	s28 =	simm.s32 $0x6900  }
0x7: {  	s29 =	simm.s32 $0x7100;
	s30 =	simm.s32 $0x7900;
	s31 =	simm.s32 $0x8100  }
0x8: {  	s9 =	simm.s32 $0xA900;
	s4 =	sand.u32 $0x1, s4;
	s5 =	sshll.u32 s6, $0x1  }
0x9: {  	[smem:$0x7FF] =	sst s3;
	s6 =	sshll.u32 s6, $0x2;
	s5 =	sor.u32 s4, s5  }
0xa: {  	s6 =	sand.u32 $0x30, s6;
	_ =	strace $0x80000047;
	[dreg:$0xc] =	wrdreg s25  }
0xb: {  	s4 =	ssub.s32 $0x2, s4;
	[dreg:$0xd] =	wrdreg s26;
	s25 =	simm.s32 $0x5100  }
0xc: {  	s26 =	simm.s32 $0x5900;
	s7 =	sshll.u32 s5, $0x7;
	s8 =	smul.u32 $0x6000, s5  }
0xd: {  	s0 =	sadd.s32 s0, s6;
	s5 =	smul.u32 $0x30000, s5;
	s22 =	sshrl.u32 s4, $0x1  }
0xe: {  	s6 =	sadd.s32 $0x200, s1;
	s7 =	sand.u32 $0x380, s7;
	s24 =	ssub.s32 s4, s22  }
0xf: {  	s22 =	simm.s32 $0xB100;
	s0 =	sadd.s32 s7, s0;
	s15 =	sadd.s32 s2, s8  }
0x10: {  	s5 =	sshrl.u32 s5, $0x3;
	s7 =	smax.u32 s24, $0x1;
	[dreg:$0x4] =	wrdreg s0  }
0x11: {  	s24 =	simm.s32 $0x4900;
	s16 =	sadd.s32 $0xC00, s15;
	[dreg:$0xe] =	wrdreg s15  }
0x12: {  	s17 =	sadd.s32 $0x1800, s15;
	s2 =	sadd.s32 s2, s5;
	[dreg:$0x5] =	wrdreg s16  }
0x13: {  	s8 =	simm.s32 $0xA100;
	[dreg:$0x6] =	wrdreg s17;
	s18 =	sadd.s32 $0x2400, s2  }
0x14: {  	s5 =	sadd.s32 $0x100, s1;
	s19 =	sadd.s32 $0x3000, s2;
	[dreg:$0x7] =	wrdreg s18  }
0x15: {  	s20 =	sadd.s32 $0x3C00, s2;
	s21 =	sadd.s32 $0x4800, s2;
	[dreg:$0x8] =	wrdreg s19  }
0x16: {  	s23 =	sadd.s32 $0x5400, s2;
	s16 =	simm.s32 $0x1900;
	[dreg:$0x9] =	wrdreg s20  }
0x17: {  	v2 =	vlaneseq.u32;
	s17 =	simm.s32 $0x2100;
	s2 =	simm.s32 $0xC100;
	[dreg:$0xa] =	wrdreg s21  }
0x18: {  	vm0 =	vmmov $0xffff;
	v1 =	vshrl.u32 v2, $0x3;
	[dreg:$0xb] =	wrdreg s23;
	s21 =	simm.s32 $0x100;
	s18 =	simm.s32 $0x2900  }
0x19: {  	v0 =	vand.u32 $0x7, v2;
	v2 =	vor.u32 $0x8, v2;
	v1 =	vmul.u32 $0x8, v1;
	s19 =	simm.s32 $0x3100;
	s20 =	simm.s32 $0x3900;
	s23 =	simm.s32 $0x4100  }
.LBB2_1:
0x1a: {  	s13 =	rddreg [dreg:$0x4]  }
0x1b: {  	s14 =	rddreg [dreg:$0xc]  }
0x1c: {  	s15 =	rddreg [dreg:$0xd];
	s0 =	simm.s32 $0x3  }
0x1d: {  	[tilespmem:s3], [sflag:$0x3] =	stream.strided.gather [hbm4b:s13+s14], $0x100, s15, s14, $0x38;
	[tilespmem:$0x18100] =	vst v63  }
0x1e: {  	_ =	swait.ge [sflag:s0], $0x100  }
0x1f: {  	[sflag:s0] =	ssyncset.done $0x0  }
0x20: {  	[sflag:s0] =	ssyncadd.s32 $0xFFFFFF00  }
0x21: {  	v3 =	vld [tilespmem:$0x0];
	_ =	sdelay $0x4  }
0x22: {  	v4 =	vshrl.u32 v3, $0x3  }
0x23: {  	v4 =	vmul.u32 $0x30, v4  }
0x24: {  	v3 =	vand.u32 $0x7, v3  }
0x25: {  	v3 =	vor.u32 v3, v4  }
0x26: {  	v4 =	vperm.xlane v3, v0;
	_ =	sdelay $0x1  }
0x27: {  	v4 =	vadd.s32 v1, v4;
	_ =	sdelay $0x3  }
0x28: {  	v3 =	vperm.xlane v3, v2  }
0x29: {  	[tilespmem:s21], [sflag:$0x1] =	stream.indirect_vreg.gather [hbm4b:s1+s3], $0x80, v4, vm0, $0xb8;
	[tilespmem:$0x18100] =	vst v63  }
0x2a: {  	s14 =	simm.s32 $0x900;
	v3 =	vadd.s32 v1, v3  }
0x2b: {  	[tilespmem:s14], [sflag:$0x1] =	stream.indirect_vreg.gather [hbm4b:s5+s3], $0x80, v4, vm0, $0xb8;
	[tilespmem:$0x18100] =	vst v63  }
0x2c: {  	s15 =	simm.s32 $0x1100  }
0x2d: {  	[tilespmem:s15], [sflag:$0x1] =	stream.indirect_vreg.gather [hbm4b:s6+s3], $0x80, v4, vm0, $0xb8;
	[tilespmem:$0x18100] =	vst v63  }
0x2e: {  	_ = 	snop  }
0x2f: {  	[tilespmem:s16], [sflag:$0x1] =	stream.indirect_vreg.gather [hbm4b:s1+s3], $0x80, v3, vm0, $0xb8;
	[tilespmem:$0x18100] =	vst v63  }
0x30: {  	_ = 	snop  }
0x31: {  	[tilespmem:s17], [sflag:$0x1] =	stream.indirect_vreg.gather [hbm4b:s5+s3], $0x80, v3, vm0, $0xb8;
	[tilespmem:$0x18100] =	vst v63  }
0x32: {  	_ = 	snop  }
0x33: {  	[tilespmem:s18], [sflag:$0x1] =	stream.indirect_vreg.gather [hbm4b:s6+s3], $0x80, v3, vm0, $0xb8;
	[tilespmem:$0x18100] =	vst v63  }
0x34: {  	v3 =	vld [tilespmem:$0x10];
	_ =	sdelay $0x4  }
0x35: {  	v49 =	vshrl.u32 v3, $0x3  }
0x36: {  	v4 =	vmul.u32 $0x30, v49  }
0x37: {  	v3 =	vand.u32 $0x7, v3  }
0x38: {  	v3 =	vor.u32 v3, v4  }
0x39: {  	v4 =	vperm.xlane v3, v0;
	_ =	sdelay $0x1  }
0x3a: {  	v4 =	vadd.s32 v1, v4;
	_ =	sdelay $0x3  }
0x3b: {  	v3 =	vperm.xlane v3, v2  }
0x3c: {  	[tilespmem:s19], [sflag:$0x1] =	stream.indirect_vreg.gather [hbm4b:s1+s3], $0x80, v4, vm0, $0xb8;
	[tilespmem:$0x18100] =	vst v63  }
0x3d: {  	v3 =	vadd.s32 v1, v3  }
0x3e: {  	[tilespmem:s20], [sflag:$0x1] =	stream.indirect_vreg.gather [hbm4b:s5+s3], $0x80, v4, vm0, $0xb8;
	[tilespmem:$0x18100] =	vst v63  }
0x3f: {  	_ = 	snop  }
0x40: {  	[tilespmem:s23], [sflag:$0x1] =	stream.indirect_vreg.gather [hbm4b:s6+s3], $0x80, v4, vm0, $0xb8;
	[tilespmem:$0x18100] =	vst v63  }
0x41: {  	_ = 	snop  }
0x42: {  	[tilespmem:s24], [sflag:$0x1] =	stream.indirect_vreg.gather [hbm4b:s1+s3], $0x80, v3, vm0, $0xb8;
	[tilespmem:$0x18100] =	vst v63  }
0x43: {  	_ = 	snop  }
0x44: {  	[tilespmem:s25], [sflag:$0x1] =	stream.indirect_vreg.gather [hbm4b:s5+s3], $0x80, v3, vm0, $0xb8;
	[tilespmem:$0x18100] =	vst v63  }
0x45: {  	_ = 	snop  }
0x46: {  	[tilespmem:s26], [sflag:$0x1] =	stream.indirect_vreg.gather [hbm4b:s6+s3], $0x80, v3, vm0, $0xb8;
	[tilespmem:$0x18100] =	vst v63  }
0x47: {  	v3 =	vld [tilespmem:$0x20];
	_ =	sdelay $0x4  }
0x48: {  	v50 =	vshrl.u32 v3, $0x3  }
0x49: {  	v4 =	vmul.u32 $0x30, v50  }
0x4a: {  	v3 =	vand.u32 $0x7, v3  }
0x4b: {  	v3 =	vor.u32 v3, v4  }
0x4c: {  	v4 =	vperm.xlane v3, v0;
	_ =	sdelay $0x1  }
0x4d: {  	v4 =	vadd.s32 v1, v4;
	_ =	sdelay $0x3  }
0x4e: {  	v3 =	vperm.xlane v3, v2  }
0x4f: {  	[tilespmem:s10], [sflag:$0x1] =	stream.indirect_vreg.gather [hbm4b:s1+s3], $0x80, v4, vm0, $0xb8;
	[tilespmem:$0x18100] =	vst v63  }
0x50: {  	v3 =	vadd.s32 v1, v3  }
0x51: {  	[tilespmem:s28], [sflag:$0x1] =	stream.indirect_vreg.gather [hbm4b:s5+s3], $0x80, v4, vm0, $0xb8;
	[tilespmem:$0x18100] =	vst v63  }
0x52: {  	_ = 	snop  }
0x53: {  	[tilespmem:s29], [sflag:$0x1] =	stream.indirect_vreg.gather [hbm4b:s6+s3], $0x80, v4, vm0, $0xb8;
	[tilespmem:$0x18100] =	vst v63  }
0x54: {  	_ = 	snop  }
0x55: {  	[tilespmem:s30], [sflag:$0x1] =	stream.indirect_vreg.gather [hbm4b:s1+s3], $0x80, v3, vm0, $0xb8;
	[tilespmem:$0x18100] =	vst v63  }
0x56: {  	_ = 	snop  }
0x57: {  	[tilespmem:s31], [sflag:$0x1] =	stream.indirect_vreg.gather [hbm4b:s5+s3], $0x80, v3, vm0, $0xb8;
	[tilespmem:$0x18100] =	vst v63  }
0x58: {  	s13 =	simm.s32 $0x8900  }
0x59: {  	[tilespmem:s13], [sflag:$0x1] =	stream.indirect_vreg.gather [hbm4b:s6+s3], $0x80, v3, vm0, $0xb8;
	[tilespmem:$0x18100] =	vst v63  }
0x5a: {  	v3 =	vld [tilespmem:$0x30];
	_ =	sdelay $0x4  }
0x5b: {  	v51 =	vshrl.u32 v3, $0x3  }
0x5c: {  	v4 =	vmul.u32 $0x30, v51  }
0x5d: {  	v3 =	vand.u32 $0x7, v3  }
0x5e: {  	v3 =	vor.u32 v3, v4  }
0x5f: {  	v4 =	vperm.xlane v3, v0;
	_ =	sdelay $0x1  }
0x60: {  	v4 =	vadd.s32 v1, v4;
	_ =	sdelay $0x3  }
0x61: {  	s4 =	simm.s32 $0x9100;
	v3 =	vperm.xlane v3, v2  }
0x62: {  	[tilespmem:s4], [sflag:$0x1] =	stream.indirect_vreg.gather [hbm4b:s1+s3], $0x80, v4, vm0, $0xb8;
	[tilespmem:$0x18100] =	vst v63  }
0x63: {  	v3 =	vadd.s32 v1, v3;
	s4 =	simm.s32 $0x9900  }
0x64: {  	[tilespmem:s4], [sflag:$0x1] =	stream.indirect_vreg.gather [hbm4b:s5+s3], $0x80, v4, vm0, $0xb8;
	[tilespmem:$0x18100] =	vst v63  }
0x65: {  	_ = 	snop  }
0x66: {  	[tilespmem:s8], [sflag:$0x1] =	stream.indirect_vreg.gather [hbm4b:s6+s3], $0x80, v4, vm0, $0xb8;
	[tilespmem:$0x18100] =	vst v63  }
0x67: {  	_ = 	snop  }
0x68: {  	[tilespmem:s9], [sflag:$0x1] =	stream.indirect_vreg.gather [hbm4b:s1+s3], $0x80, v3, vm0, $0xb8;
	[tilespmem:$0x18100] =	vst v63  }
0x69: {  	_ = 	snop  }
0x6a: {  	[tilespmem:s22], [sflag:$0x1] =	stream.indirect_vreg.gather [hbm4b:s5+s3], $0x80, v3, vm0, $0xb8;
	[tilespmem:$0x18100] =	vst v63  }
0x6b: {  	s13 =	simm.s32 $0xB900  }
0x6c: {  	[tilespmem:s13], [sflag:$0x1] =	stream.indirect_vreg.gather [hbm4b:s6+s3], $0x80, v3, vm0, $0xb8;
	[tilespmem:$0x18100] =	vst v63  }
0x6d: {  	v3 =	vld [tilespmem:$0x40];
	_ =	sdelay $0x4  }
0x6e: {  	v52 =	vshrl.u32 v3, $0x3  }
0x6f: {  	v4 =	vmul.u32 $0x30, v52  }
0x70: {  	v3 =	vand.u32 $0x7, v3  }
0x71: {  	v3 =	vor.u32 v3, v4  }
0x72: {  	v4 =	vperm.xlane v3, v0;
	_ =	sdelay $0x1  }
0x73: {  	v4 =	vadd.s32 v1, v4;
	_ =	sdelay $0x3  }
0x74: {  	v3 =	vperm.xlane v3, v2  }
0x75: {  	[tilespmem:s2], [sflag:$0x1] =	stream.indirect_vreg.gather [hbm4b:s1+s3], $0x80, v4, vm0, $0xb8;
	[tilespmem:$0x18100] =	vst v63  }
0x76: {  	s13 =	simm.s32 $0xC900;
	v3 =	vadd.s32 v1, v3  }
0x77: {  	[tilespmem:s13], [sflag:$0x1] =	stream.indirect_vreg.gather [hbm4b:s5+s3], $0x80, v4, vm0, $0xb8;
	[tilespmem:$0x18100] =	vst v63  }
0x78: {  	s13 =	simm.s32 $0xD100  }
0x79: {  	[tilespmem:s13], [sflag:$0x1] =	stream.indirect_vreg.gather [hbm4b:s6+s3], $0x80, v4, vm0, $0xb8;
	[tilespmem:$0x18100] =	vst v63  }
0x7a: {  	s13 =	simm.s32 $0xD900  }
0x7b: {  	[tilespmem:s13], [sflag:$0x1] =	stream.indirect_vreg.gather [hbm4b:s1+s3], $0x80, v3, vm0, $0xb8;
	[tilespmem:$0x18100] =	vst v63  }
0x7c: {  	s13 =	simm.s32 $0xE100  }
0x7d: {  	[tilespmem:s13], [sflag:$0x1] =	stream.indirect_vreg.gather [hbm4b:s5+s3], $0x80, v3, vm0, $0xb8;
	[tilespmem:$0x18100] =	vst v63  }
0x7e: {  	s13 =	simm.s32 $0xE900  }
0x7f: {  	[tilespmem:s13], [sflag:$0x1] =	stream.indirect_vreg.gather [hbm4b:s6+s3], $0x80, v3, vm0, $0xb8;
	[tilespmem:$0x18100] =	vst v63  }
0x80: {  	v3 =	vld [tilespmem:$0x50];
	_ =	sdelay $0x4  }
0x81: {  	v53 =	vshrl.u32 v3, $0x3  }
0x82: {  	v4 =	vmul.u32 $0x30, v53  }
0x83: {  	v3 =	vand.u32 $0x7, v3  }
0x84: {  	v3 =	vor.u32 v3, v4  }
0x85: {  	v4 =	vperm.xlane v3, v0;
	_ =	sdelay $0x1  }
0x86: {  	v4 =	vadd.s32 v1, v4;
	_ =	sdelay $0x3  }
0x87: {  	s13 =	simm.s32 $0xF100;
	v3 =	vperm.xlane v3, v2  }
0x88: {  	[tilespmem:s13], [sflag:$0x1] =	stream.indirect_vreg.gather [hbm4b:s1+s3], $0x80, v4, vm0, $0xb8;
	[tilespmem:$0x18100] =	vst v63  }
0x89: {  	v3 =	vadd.s32 v1, v3;
	s13 =	simm.s32 $0xF900  }
0x8a: {  	[tilespmem:s13], [sflag:$0x1] =	stream.indirect_vreg.gather [hbm4b:s5+s3], $0x80, v4, vm0, $0xb8;
	[tilespmem:$0x18100] =	vst v63  }
0x8b: {  	s13 =	simm.s32 $0x10100  }
0x8c: {  	[tilespmem:s13], [sflag:$0x1] =	stream.indirect_vreg.gather [hbm4b:s6+s3], $0x80, v4, vm0, $0xb8;
	[tilespmem:$0x18100] =	vst v63  }
0x8d: {  	s13 =	simm.s32 $0x10900  }
0x8e: {  	[tilespmem:s13], [sflag:$0x1] =	stream.indirect_vreg.gather [hbm4b:s1+s3], $0x80, v3, vm0, $0xb8;
	[tilespmem:$0x18100] =	vst v63  }
0x8f: {  	s13 =	simm.s32 $0x11100  }
0x90: {  	[tilespmem:s13], [sflag:$0x1] =	stream.indirect_vreg.gather [hbm4b:s5+s3], $0x80, v3, vm0, $0xb8;
	[tilespmem:$0x18100] =	vst v63  }
0x91: {  	s13 =	simm.s32 $0x11900  }
0x92: {  	[tilespmem:s13], [sflag:$0x1] =	stream.indirect_vreg.gather [hbm4b:s6+s3], $0x80, v3, vm0, $0xb8;
	[tilespmem:$0x18100] =	vst v63  }
0x93: {  	v3 =	vld [tilespmem:$0x60];
	_ =	sdelay $0x4  }
0x94: {  	v54 =	vshrl.u32 v3, $0x3  }
0x95: {  	v4 =	vmul.u32 $0x30, v54  }
0x96: {  	v3 =	vand.u32 $0x7, v3  }
0x97: {  	v3 =	vor.u32 v3, v4  }
0x98: {  	v4 =	vperm.xlane v3, v0;
	_ =	sdelay $0x1  }
0x99: {  	v4 =	vadd.s32 v1, v4;
	_ =	sdelay $0x3  }
0x9a: {  	s0 =	simm.s32 $0x12100;
	v3 =	vperm.xlane v3, v2  }
0x9b: {  	[tilespmem:s0], [sflag:$0x1] =	stream.indirect_vreg.gather [hbm4b:s1+s3], $0x80, v4, vm0, $0xb8;
	[tilespmem:$0x18100] =	vst v63  }
0x9c: {  	s13 =	simm.s32 $0x12900;
	v3 =	vadd.s32 v1, v3  }
0x9d: {  	[tilespmem:s13], [sflag:$0x1] =	stream.indirect_vreg.gather [hbm4b:s5+s3], $0x80, v4, vm0, $0xb8;
	[tilespmem:$0x18100] =	vst v63  }
0x9e: {  	s13 =	simm.s32 $0x13100  }
0x9f: {  	[tilespmem:s13], [sflag:$0x1] =	stream.indirect_vreg.gather [hbm4b:s6+s3], $0x80, v4, vm0, $0xb8;
	[tilespmem:$0x18100] =	vst v63  }
0xa0: {  	s13 =	simm.s32 $0x13900  }
0xa1: {  	[tilespmem:s13], [sflag:$0x1] =	stream.indirect_vreg.gather [hbm4b:s1+s3], $0x80, v3, vm0, $0xb8;
	[tilespmem:$0x18100] =	vst v63  }
0xa2: {  	s13 =	simm.s32 $0x14100  }
0xa3: {  	[tilespmem:s13], [sflag:$0x1] =	stream.indirect_vreg.gather [hbm4b:s5+s3], $0x80, v3, vm0, $0xb8;
	[tilespmem:$0x18100] =	vst v63  }
0xa4: {  	s13 =	simm.s32 $0x14900  }
0xa5: {  	[tilespmem:s13], [sflag:$0x1] =	stream.indirect_vreg.gather [hbm4b:s6+s3], $0x80, v3, vm0, $0xb8;
	[tilespmem:$0x18100] =	vst v63  }
0xa6: {  	v3 =	vld [tilespmem:$0x70];
	_ =	sdelay $0x4  }
0xa7: {  	v55 =	vshrl.u32 v3, $0x3  }
0xa8: {  	v4 =	vmul.u32 $0x30, v55  }
0xa9: {  	v3 =	vand.u32 $0x7, v3  }
0xaa: {  	v3 =	vor.u32 v3, v4  }
0xab: {  	v4 =	vperm.xlane v3, v0;
	_ =	sdelay $0x1  }
0xac: {  	v4 =	vadd.s32 v1, v4;
	_ =	sdelay $0x3  }
0xad: {  	s13 =	simm.s32 $0x15100;
	v3 =	vperm.xlane v3, v2  }
0xae: {  	[tilespmem:s13], [sflag:$0x1] =	stream.indirect_vreg.gather [hbm4b:s1+s3], $0x80, v4, vm0, $0xb8;
	[tilespmem:$0x18100] =	vst v63  }
0xaf: {  	v3 =	vadd.s32 v1, v3;
	s13 =	simm.s32 $0x15900  }
0xb0: {  	[tilespmem:s13], [sflag:$0x1] =	stream.indirect_vreg.gather [hbm4b:s5+s3], $0x80, v4, vm0, $0xb8;
	[tilespmem:$0x18100] =	vst v63  }
0xb1: {  	s13 =	simm.s32 $0x16100  }
0xb2: {  	[tilespmem:s13], [sflag:$0x1] =	stream.indirect_vreg.gather [hbm4b:s6+s3], $0x80, v4, vm0, $0xb8;
	[tilespmem:$0x18100] =	vst v63  }
0xb3: {  	s13 =	simm.s32 $0x16900  }
0xb4: {  	[tilespmem:s13], [sflag:$0x1] =	stream.indirect_vreg.gather [hbm4b:s1+s3], $0x80, v3, vm0, $0xb8;
	[tilespmem:$0x18100] =	vst v63  }
0xb5: {  	s13 =	simm.s32 $0x17100  }
0xb6: {  	[tilespmem:s13], [sflag:$0x1] =	stream.indirect_vreg.gather [hbm4b:s5+s3], $0x80, v3, vm0, $0xb8;
	[tilespmem:$0x18100] =	vst v63  }
0xb7: {  	s13 =	simm.s32 $0x17900  }
0xb8: {  	[tilespmem:s13], [sflag:$0x1] =	stream.indirect_vreg.gather [hbm4b:s6+s3], $0x80, v3, vm0, $0xb8;
	[tilespmem:$0x18100] =	vst v63  }
0xb9: {  	_ =	swait.ge [sflag:s11], $0x6000  }
0xba: {  	[sflag:s11] =	ssyncset.done $0x0  }
0xbb: {  	s13 =	rddreg [dreg:$0xe];
	[sflag:s11] =	ssyncadd.s32 $0xFFFFA000  }
0xbc: {  	[hbm4b:s13+s3] =	stream.linear.scatter [tilespmem:s21], [sflag:$0x2], $0x6000, $0x38;
	[tilespmem:$0x18100] =	vst v63  }
0xbd: {  	_ =	swait.ge [sflag:s11], $0x6000  }
0xbe: {  	[sflag:s11] =	ssyncset.done $0x0  }
0xbf: {  	s13 =	rddreg [dreg:$0x5];
	[sflag:s11] =	ssyncadd.s32 $0xFFFFA000  }
0xc0: {  	[hbm4b:s13+s3] =	stream.linear.scatter [tilespmem:s10], [sflag:$0x2], $0x6000, $0x38;
	[tilespmem:$0x18100] =	vst v63  }
0xc1: {  	_ =	swait.ge [sflag:s12], $0x6000  }
0xc2: {  	[sflag:s12] =	ssyncset.done $0x0  }
0xc3: {  	[sflag:s12] =	ssyncadd.s32 $0xFFFFA000  }
0xc4: {  	v3 =	vld [tilespmem:$0x80];
	_ =	sdelay $0x4  }
0xc5: {  	v56 =	vshrl.u32 v3, $0x3  }
0xc6: {  	v4 =	vmul.u32 $0x30, v56  }
0xc7: {  	v3 =	vand.u32 $0x7, v3  }
0xc8: {  	v3 =	vor.u32 v3, v4  }
0xc9: {  	v4 =	vperm.xlane v3, v0;
	_ =	sdelay $0x1  }
0xca: {  	v4 =	vadd.s32 v1, v4;
	_ =	sdelay $0x3  }
0xcb: {  	v3 =	vperm.xlane v3, v2  }
0xcc: {  	[tilespmem:s21], [sflag:$0x1] =	stream.indirect_vreg.gather [hbm4b:s1+s3], $0x80, v4, vm0, $0xb8;
	[tilespmem:$0x18100] =	vst v63  }
0xcd: {  	v3 =	vadd.s32 v1, v3  }
0xce: {  	[tilespmem:s14], [sflag:$0x1] =	stream.indirect_vreg.gather [hbm4b:s5+s3], $0x80, v4, vm0, $0xb8;
	[tilespmem:$0x18100] =	vst v63  }
0xcf: {  	_ = 	snop  }
0xd0: {  	[tilespmem:s15], [sflag:$0x1] =	stream.indirect_vreg.gather [hbm4b:s6+s3], $0x80, v4, vm0, $0xb8;
	[tilespmem:$0x18100] =	vst v63  }
0xd1: {  	_ = 	snop  }
0xd2: {  	[tilespmem:s16], [sflag:$0x1] =	stream.indirect_vreg.gather [hbm4b:s1+s3], $0x80, v3, vm0, $0xb8;
	[tilespmem:$0x18100] =	vst v63  }
0xd3: {  	_ = 	snop  }
0xd4: {  	[tilespmem:s17], [sflag:$0x1] =	stream.indirect_vreg.gather [hbm4b:s5+s3], $0x80, v3, vm0, $0xb8;
	[tilespmem:$0x18100] =	vst v63  }
0xd5: {  	_ = 	snop  }
0xd6: {  	[tilespmem:s18], [sflag:$0x1] =	stream.indirect_vreg.gather [hbm4b:s6+s3], $0x80, v3, vm0, $0xb8;
	[tilespmem:$0x18100] =	vst v63  }
0xd7: {  	v3 =	vld [tilespmem:$0x90];
	_ =	sdelay $0x4  }
0xd8: {  	v57 =	vshrl.u32 v3, $0x3  }
0xd9: {  	v4 =	vmul.u32 $0x30, v57  }
0xda: {  	v3 =	vand.u32 $0x7, v3  }
0xdb: {  	v3 =	vor.u32 v3, v4  }
0xdc: {  	v4 =	vperm.xlane v3, v0;
	_ =	sdelay $0x1  }
0xdd: {  	v4 =	vadd.s32 v1, v4;
	_ =	sdelay $0x3  }
0xde: {  	v3 =	vperm.xlane v3, v2  }
0xdf: {  	[tilespmem:s19], [sflag:$0x1] =	stream.indirect_vreg.gather [hbm4b:s1+s3], $0x80, v4, vm0, $0xb8;
	[tilespmem:$0x18100] =	vst v63  }
0xe0: {  	v3 =	vadd.s32 v1, v3  }
0xe1: {  	[tilespmem:s20], [sflag:$0x1] =	stream.indirect_vreg.gather [hbm4b:s5+s3], $0x80, v4, vm0, $0xb8;
	[tilespmem:$0x18100] =	vst v63  }
0xe2: {  	_ = 	snop  }
0xe3: {  	[tilespmem:s23], [sflag:$0x1] =	stream.indirect_vreg.gather [hbm4b:s6+s3], $0x80, v4, vm0, $0xb8;
	[tilespmem:$0x18100] =	vst v63  }
0xe4: {  	_ = 	snop  }
0xe5: {  	[tilespmem:s24], [sflag:$0x1] =	stream.indirect_vreg.gather [hbm4b:s1+s3], $0x80, v3, vm0, $0xb8;
	[tilespmem:$0x18100] =	vst v63  }
0xe6: {  	_ = 	snop  }
0xe7: {  	[tilespmem:s25], [sflag:$0x1] =	stream.indirect_vreg.gather [hbm4b:s5+s3], $0x80, v3, vm0, $0xb8;
	[tilespmem:$0x18100] =	vst v63  }
0xe8: {  	_ = 	snop  }
0xe9: {  	[tilespmem:s26], [sflag:$0x1] =	stream.indirect_vreg.gather [hbm4b:s6+s3], $0x80, v3, vm0, $0xb8;
	[tilespmem:$0x18100] =	vst v63  }
0xea: {  	_ =	swait.ge [sflag:s11], $0x6000  }
0xeb: {  	[sflag:s11] =	ssyncset.done $0x0  }
0xec: {  	s14 =	rddreg [dreg:$0x6];
	[sflag:s11] =	ssyncadd.s32 $0xFFFFA000  }
0xed: {  	[hbm4b:s14+s3] =	stream.linear.scatter [tilespmem:s2], [sflag:$0x2], $0x6000, $0x38;
	[tilespmem:$0x18100] =	vst v63  }
0xee: {  	_ =	swait.ge [sflag:s12], $0x6000  }
0xef: {  	[sflag:s12] =	ssyncset.done $0x0  }
0xf0: {  	[sflag:s12] =	ssyncadd.s32 $0xFFFFA000  }
0xf1: {  	v3 =	vld [tilespmem:$0xA0];
	_ =	sdelay $0x4  }
0xf2: {  	v58 =	vshrl.u32 v3, $0x3  }
0xf3: {  	v4 =	vmul.u32 $0x30, v58  }
0xf4: {  	v3 =	vand.u32 $0x7, v3  }
0xf5: {  	v3 =	vor.u32 v3, v4  }
0xf6: {  	v4 =	vperm.xlane v3, v0;
	_ =	sdelay $0x1  }
0xf7: {  	v4 =	vadd.s32 v1, v4;
	_ =	sdelay $0x3  }
0xf8: {  	v3 =	vperm.xlane v3, v2  }
0xf9: {  	[tilespmem:s10], [sflag:$0x1] =	stream.indirect_vreg.gather [hbm4b:s1+s3], $0x80, v4, vm0, $0xb8;
	[tilespmem:$0x18100] =	vst v63  }
0xfa: {  	v3 =	vadd.s32 v1, v3  }
0xfb: {  	[tilespmem:s28], [sflag:$0x1] =	stream.indirect_vreg.gather [hbm4b:s5+s3], $0x80, v4, vm0, $0xb8;
	[tilespmem:$0x18100] =	vst v63  }
0xfc: {  	_ = 	snop  }
0xfd: {  	[tilespmem:s29], [sflag:$0x1] =	stream.indirect_vreg.gather [hbm4b:s6+s3], $0x80, v4, vm0, $0xb8;
	[tilespmem:$0x18100] =	vst v63  }
0xfe: {  	_ = 	snop  }
0xff: {  	[tilespmem:s30], [sflag:$0x1] =	stream.indirect_vreg.gather [hbm4b:s1+s3], $0x80, v3, vm0, $0xb8;
	[tilespmem:$0x18100] =	vst v63  }
0x100: {  	_ = 	snop  }
0x101: {  	[tilespmem:s31], [sflag:$0x1] =	stream.indirect_vreg.gather [hbm4b:s5+s3], $0x80, v3, vm0, $0xb8;
	[tilespmem:$0x18100] =	vst v63  }
0x102: {  	s15 =	simm.s32 $0x8900  }
0x103: {  	[tilespmem:s15], [sflag:$0x1] =	stream.indirect_vreg.gather [hbm4b:s6+s3], $0x80, v3, vm0, $0xb8;
	[tilespmem:$0x18100] =	vst v63  }
0x104: {  	v3 =	vld [tilespmem:$0xB0];
	_ =	sdelay $0x4  }
0x105: {  	v59 =	vshrl.u32 v3, $0x3  }
0x106: {  	v4 =	vmul.u32 $0x30, v59  }
0x107: {  	v3 =	vand.u32 $0x7, v3  }
0x108: {  	v3 =	vor.u32 v3, v4  }
0x109: {  	v4 =	vperm.xlane v3, v0;
	_ =	sdelay $0x1  }
0x10a: {  	v4 =	vadd.s32 v1, v4;
	_ =	sdelay $0x3  }
0x10b: {  	s14 =	simm.s32 $0x9100;
	v3 =	vperm.xlane v3, v2  }
0x10c: {  	[tilespmem:s14], [sflag:$0x1] =	stream.indirect_vreg.gather [hbm4b:s1+s3], $0x80, v4, vm0, $0xb8;
	[tilespmem:$0x18100] =	vst v63  }
0x10d: {  	v3 =	vadd.s32 v1, v3  }
0x10e: {  	[tilespmem:s4], [sflag:$0x1] =	stream.indirect_vreg.gather [hbm4b:s5+s3], $0x80, v4, vm0, $0xb8;
	[tilespmem:$0x18100] =	vst v63  }
0x10f: {  	_ = 	snop  }
0x110: {  	[tilespmem:s8], [sflag:$0x1] =	stream.indirect_vreg.gather [hbm4b:s6+s3], $0x80, v4, vm0, $0xb8;
	[tilespmem:$0x18100] =	vst v63  }
0x111: {  	_ = 	snop  }
0x112: {  	[tilespmem:s9], [sflag:$0x1] =	stream.indirect_vreg.gather [hbm4b:s1+s3], $0x80, v3, vm0, $0xb8;
	[tilespmem:$0x18100] =	vst v63  }
0x113: {  	_ = 	snop  }
0x114: {  	[tilespmem:s22], [sflag:$0x1] =	stream.indirect_vreg.gather [hbm4b:s5+s3], $0x80, v3, vm0, $0xb8;
	[tilespmem:$0x18100] =	vst v63  }
0x115: {  	s15 =	simm.s32 $0xB900  }
0x116: {  	[tilespmem:s15], [sflag:$0x1] =	stream.indirect_vreg.gather [hbm4b:s6+s3], $0x80, v3, vm0, $0xb8;
	[tilespmem:$0x18100] =	vst v63  }
0x117: {  	_ =	swait.ge [sflag:s11], $0x6000  }
0x118: {  	[sflag:s11] =	ssyncset.done $0x0  }
0x119: {  	s4 =	rddreg [dreg:$0x7];
	[sflag:s11] =	ssyncadd.s32 $0xFFFFA000  }
0x11a: {  	[hbm4b:s4+s3] =	stream.linear.scatter [tilespmem:s0], [sflag:$0x2], $0x6000, $0x38;
	[tilespmem:$0x18100] =	vst v63  }
0x11b: {  	_ =	swait.ge [sflag:s12], $0x6000  }
0x11c: {  	[sflag:s12] =	ssyncset.done $0x0  }
0x11d: {  	[sflag:s12] =	ssyncadd.s32 $0xFFFFA000  }
0x11e: {  	v3 =	vld [tilespmem:$0xC0];
	_ =	sdelay $0x4  }
0x11f: {  	v60 =	vshrl.u32 v3, $0x3  }
0x120: {  	v4 =	vmul.u32 $0x30, v60  }
0x121: {  	v3 =	vand.u32 $0x7, v3  }
0x122: {  	v3 =	vor.u32 v3, v4  }
0x123: {  	v4 =	vperm.xlane v3, v0;
	_ =	sdelay $0x1  }
0x124: {  	v4 =	vadd.s32 v1, v4;
	_ =	sdelay $0x3  }
0x125: {  	v3 =	vperm.xlane v3, v2  }
0x126: {  	[tilespmem:s2], [sflag:$0x1] =	stream.indirect_vreg.gather [hbm4b:s1+s3], $0x80, v4, vm0, $0xb8;
	[tilespmem:$0x18100] =	vst v63  }
0x127: {  	s14 =	simm.s32 $0xC900;
	v3 =	vadd.s32 v1, v3  }
0x128: {  	[tilespmem:s14], [sflag:$0x1] =	stream.indirect_vreg.gather [hbm4b:s5+s3], $0x80, v4, vm0, $0xb8;
	[tilespmem:$0x18100] =	vst v63  }
0x129: {  	s15 =	simm.s32 $0xD100  }
0x12a: {  	[tilespmem:s15], [sflag:$0x1] =	stream.indirect_vreg.gather [hbm4b:s6+s3], $0x80, v4, vm0, $0xb8;
	[tilespmem:$0x18100] =	vst v63  }
0x12b: {  	s13 =	simm.s32 $0xD900  }
0x12c: {  	[tilespmem:s13], [sflag:$0x1] =	stream.indirect_vreg.gather [hbm4b:s1+s3], $0x80, v3, vm0, $0xb8;
	[tilespmem:$0x18100] =	vst v63  }
0x12d: {  	s14 =	simm.s32 $0xE100  }
0x12e: {  	[tilespmem:s14], [sflag:$0x1] =	stream.indirect_vreg.gather [hbm4b:s5+s3], $0x80, v3, vm0, $0xb8;
	[tilespmem:$0x18100] =	vst v63  }
0x12f: {  	s15 =	simm.s32 $0xE900  }
0x130: {  	[tilespmem:s15], [sflag:$0x1] =	stream.indirect_vreg.gather [hbm4b:s6+s3], $0x80, v3, vm0, $0xb8;
	[tilespmem:$0x18100] =	vst v63  }
0x131: {  	v3 =	vld [tilespmem:$0xD0];
	_ =	sdelay $0x4  }
0x132: {  	v61 =	vshrl.u32 v3, $0x3  }
0x133: {  	v4 =	vmul.u32 $0x30, v61  }
0x134: {  	v3 =	vand.u32 $0x7, v3  }
0x135: {  	v3 =	vor.u32 v3, v4  }
0x136: {  	v4 =	vperm.xlane v3, v0;
	_ =	sdelay $0x1  }
0x137: {  	v4 =	vadd.s32 v1, v4;
	_ =	sdelay $0x3  }
0x138: {  	s13 =	simm.s32 $0xF100;
	v3 =	vperm.xlane v3, v2  }
0x139: {  	[tilespmem:s13], [sflag:$0x1] =	stream.indirect_vreg.gather [hbm4b:s1+s3], $0x80, v4, vm0, $0xb8;
	[tilespmem:$0x18100] =	vst v63  }
0x13a: {  	s14 =	simm.s32 $0xF900;
	v3 =	vadd.s32 v1, v3  }
0x13b: {  	[tilespmem:s14], [sflag:$0x1] =	stream.indirect_vreg.gather [hbm4b:s5+s3], $0x80, v4, vm0, $0xb8;
	[tilespmem:$0x18100] =	vst v63  }
0x13c: {  	s15 =	simm.s32 $0x10100  }
0x13d: {  	[tilespmem:s15], [sflag:$0x1] =	stream.indirect_vreg.gather [hbm4b:s6+s3], $0x80, v4, vm0, $0xb8;
	[tilespmem:$0x18100] =	vst v63  }
0x13e: {  	s13 =	simm.s32 $0x10900  }
0x13f: {  	[tilespmem:s13], [sflag:$0x1] =	stream.indirect_vreg.gather [hbm4b:s1+s3], $0x80, v3, vm0, $0xb8;
	[tilespmem:$0x18100] =	vst v63  }
0x140: {  	s14 =	simm.s32 $0x11100  }
0x141: {  	[tilespmem:s14], [sflag:$0x1] =	stream.indirect_vreg.gather [hbm4b:s5+s3], $0x80, v3, vm0, $0xb8;
	[tilespmem:$0x18100] =	vst v63  }
0x142: {  	s15 =	simm.s32 $0x11900  }
0x143: {  	[tilespmem:s15], [sflag:$0x1] =	stream.indirect_vreg.gather [hbm4b:s6+s3], $0x80, v3, vm0, $0xb8;
	[tilespmem:$0x18100] =	vst v63  }
0x144: {  	_ =	swait.ge [sflag:s11], $0x6000  }
0x145: {  	[sflag:s11] =	ssyncset.done $0x0  }
0x146: {  	s4 =	rddreg [dreg:$0x8];
	[sflag:s11] =	ssyncadd.s32 $0xFFFFA000  }
0x147: {  	[hbm4b:s4+s3] =	stream.linear.scatter [tilespmem:s21], [sflag:$0x2], $0x6000, $0x38;
	[tilespmem:$0x18100] =	vst v63  }
0x148: {  	_ =	swait.ge [sflag:s12], $0x6000  }
0x149: {  	[sflag:s12] =	ssyncset.done $0x0  }
0x14a: {  	[sflag:s12] =	ssyncadd.s32 $0xFFFFA000  }
0x14b: {  	v3 =	vld [tilespmem:$0xE0];
	_ =	sdelay $0x4  }
0x14c: {  	v62 =	vshrl.u32 v3, $0x3  }
0x14d: {  	v4 =	vmul.u32 $0x30, v62  }
0x14e: {  	v3 =	vand.u32 $0x7, v3  }
0x14f: {  	v3 =	vor.u32 v3, v4  }
0x150: {  	v4 =	vperm.xlane v3, v0;
	_ =	sdelay $0x1  }
0x151: {  	v4 =	vadd.s32 v1, v4;
	_ =	sdelay $0x3  }
0x152: {  	v3 =	vperm.xlane v3, v2  }
0x153: {  	[tilespmem:s0], [sflag:$0x1] =	stream.indirect_vreg.gather [hbm4b:s1+s3], $0x80, v4, vm0, $0xb8;
	[tilespmem:$0x18100] =	vst v63  }
0x154: {  	s14 =	simm.s32 $0x12900;
	v3 =	vadd.s32 v1, v3  }
0x155: {  	[tilespmem:s14], [sflag:$0x1] =	stream.indirect_vreg.gather [hbm4b:s5+s3], $0x80, v4, vm0, $0xb8;
	[tilespmem:$0x18100] =	vst v63  }
0x156: {  	s15 =	simm.s32 $0x13100  }
0x157: {  	[tilespmem:s15], [sflag:$0x1] =	stream.indirect_vreg.gather [hbm4b:s6+s3], $0x80, v4, vm0, $0xb8;
	[tilespmem:$0x18100] =	vst v63  }
0x158: {  	s13 =	simm.s32 $0x13900  }
0x159: {  	[tilespmem:s13], [sflag:$0x1] =	stream.indirect_vreg.gather [hbm4b:s1+s3], $0x80, v3, vm0, $0xb8;
	[tilespmem:$0x18100] =	vst v63  }
0x15a: {  	s14 =	simm.s32 $0x14100  }
0x15b: {  	[tilespmem:s14], [sflag:$0x1] =	stream.indirect_vreg.gather [hbm4b:s5+s3], $0x80, v3, vm0, $0xb8;
	[tilespmem:$0x18100] =	vst v63  }
0x15c: {  	s15 =	simm.s32 $0x14900  }
0x15d: {  	[tilespmem:s15], [sflag:$0x1] =	stream.indirect_vreg.gather [hbm4b:s6+s3], $0x80, v3, vm0, $0xb8;
	[tilespmem:$0x18100] =	vst v63  }
0x15e: {  	v3 =	vld [tilespmem:$0xF0];
	_ =	sdelay $0x4  }
0x15f: {  	v63 =	vshrl.u32 v3, $0x3  }
0x160: {  	v4 =	vmul.u32 $0x30, v63  }
0x161: {  	v3 =	vand.u32 $0x7, v3  }
0x162: {  	v3 =	vor.u32 v3, v4  }
0x163: {  	v4 =	vperm.xlane v3, v0;
	_ =	sdelay $0x1  }
0x164: {  	v4 =	vadd.s32 v1, v4;
	_ =	sdelay $0x3  }
0x165: {  	s13 =	simm.s32 $0x15100;
	v3 =	vperm.xlane v3, v2  }
0x166: {  	[tilespmem:s13], [sflag:$0x1] =	stream.indirect_vreg.gather [hbm4b:s1+s3], $0x80, v4, vm0, $0xb8;
	[tilespmem:$0x18100] =	vst v63  }
0x167: {  	s14 =	simm.s32 $0x15900;
	v3 =	vadd.s32 v1, v3  }
0x168: {  	[tilespmem:s14], [sflag:$0x1] =	stream.indirect_vreg.gather [hbm4b:s5+s3], $0x80, v4, vm0, $0xb8;
	[tilespmem:$0x18100] =	vst v63  }
0x169: {  	s15 =	simm.s32 $0x16100  }
0x16a: {  	[tilespmem:s15], [sflag:$0x1] =	stream.indirect_vreg.gather [hbm4b:s6+s3], $0x80, v4, vm0, $0xb8;
	[tilespmem:$0x18100] =	vst v63  }
0x16b: {  	s13 =	simm.s32 $0x16900  }
0x16c: {  	[tilespmem:s13], [sflag:$0x1] =	stream.indirect_vreg.gather [hbm4b:s1+s3], $0x80, v3, vm0, $0xb8;
	[tilespmem:$0x18100] =	vst v63  }
0x16d: {  	s14 =	simm.s32 $0x17100  }
0x16e: {  	[tilespmem:s14], [sflag:$0x1] =	stream.indirect_vreg.gather [hbm4b:s5+s3], $0x80, v3, vm0, $0xb8;
	[tilespmem:$0x18100] =	vst v63  }
0x16f: {  	s15 =	simm.s32 $0x17900  }
0x170: {  	[tilespmem:s15], [sflag:$0x1] =	stream.indirect_vreg.gather [hbm4b:s6+s3], $0x80, v3, vm0, $0xb8;
	[tilespmem:$0x18100] =	vst v63  }
0x171: {  	_ =	swait.ge [sflag:s11], $0x6000  }
0x172: {  	[sflag:s11] =	ssyncset.done $0x0  }
0x173: {  	s4 =	rddreg [dreg:$0x9];
	[sflag:s11] =	ssyncadd.s32 $0xFFFFA000  }
0x174: {  	[hbm4b:s4+s3] =	stream.linear.scatter [tilespmem:s10], [sflag:$0x2], $0x6000, $0x38;
	[tilespmem:$0x18100] =	vst v63  }
0x175: {  	_ =	swait.ge [sflag:s11], $0x6000  }
0x176: {  	[sflag:s11] =	ssyncset.done $0x0  }
0x177: {  	s14 =	rddreg [dreg:$0xa];
	[sflag:s11] =	ssyncadd.s32 $0xFFFFA000  }
0x178: {  	[hbm4b:s14+s3] =	stream.linear.scatter [tilespmem:s2], [sflag:$0x2], $0x6000, $0x38;
	[tilespmem:$0x18100] =	vst v63  }
0x179: {  	_ =	swait.ge [sflag:s11], $0x6000  }
0x17a: {  	[sflag:s11] =	ssyncset.done $0x0  }
0x17b: {  	s15 =	rddreg [dreg:$0xb];
	[sflag:s11] =	ssyncadd.s32 $0xFFFFA000  }
0x17c: {  	[hbm4b:s15+s3] =	stream.linear.scatter [tilespmem:s0], [sflag:$0x2], $0x6000, $0x38;
	[tilespmem:$0x18100] =	vst v63  }
0x17d: {  	_ =	swait.ge [sflag:s12], $0x6000  }
0x17e: {  	[sflag:s12] =	ssyncset.done $0x0  }
0x17f: {  	[sflag:s12] =	ssyncadd.s32 $0xFFFFA000  }
0x180: {  	_ =	swait.ge [sflag:s12], $0x6000  }
0x181: {  	[sflag:s12] =	ssyncset.done $0x0  }
0x182: {  	[sflag:s12] =	ssyncadd.s32 $0xFFFFA000  }
0x183: {  	p0 =	sne.s32 s7, $0x1;
	_ =	swait.ge [sflag:s12], $0x6000  }
.Ltmp0:
0x184: {  	[sflag:s12] =	ssyncset.done $0x0;
	(pc) =	sbr.rel @p0 .LBB2_1-.Ltmp0, $4  }
0x185: {  	[sflag:s12] =	ssyncadd.s32 $0xFFFFA000  }
0x186: {  	_ =	swait.ge [sflag:s12], $0x6000  }
0x187: {  	[sflag:s12] =	ssyncset.done $0x0  }
0x188: {  	s7 =	sadd.s32 $0xFFFFFFFF, s7;
	[sflag:s12] =	ssyncadd.s32 $0xFFFFA000  }
0x189: {  	_ =	sfence.sel $0x180000  }
0x18a: {  	[bflag:$0x0] =	sbarrier.arrive $0xFFFF  }
0x18b: {  	_ =	strace $0x90000047  }
0x18c: {  	s0 =	stileid.u32;
	[bflag:$0x2] =	sbarrier.arrive $0xFFFF  }
0x18d: {  	p0 =	sne.s32 s0, $0x0;
	s0 =	rddreg [dreg:$0x3]  }
0x18e: {  	s0 =	sadd.s32 @!p0 $0x100000, s0  }
0x18f: {  	[sflag:s0] =	ssyncadd.tile.s32 @!p0 $0x1;
	_ =	shalt  }
.Lfunc_end2:
_tile_overlayer_lowered:
.L_overlay_start_2:
0x190: {  	(tag) =	ssettag $0x2  }
0x191: {  	s0 =	rddreg [dreg:$0x0];
	s2 =	stileid.u32  }
0x192: {  	s1 =	rddreg [dreg:$0x1];
	p0 =	sne.s32 s2, $0x0  }
0x193: {  	s3 =	rddreg [dreg:$0x2];
	[bflag:$0x3] =	sbarrier.arrive $0xFFFF;
	s2 =	simm.s32 @!p0 $0x1C03  }
0x194: {  	[timem:s3], [sflag:s2] =	dma.local @!p0 [hbm:s0], s1  }
0x195: {  	s0 =	simm.s32 @!p0 $0x3  }
0x196: {  	_ =	swait.ge @!p0 [sflag:s0], s1  }
0x197: {  	s1 =	ssub.s32 @!p0 $0x0, s1;
	[sflag:s0] =	ssyncset.done @!p0 $0x0  }
0x198: {  	[sflag:s0] =	ssyncadd.s32 @!p0 s1  }
0x199: {  	[bflag:$0x3] =	sbarrier.arrive $0xFFFF  }
0x19a: {  	_ =	shalt  }

</sc_bundles>
